<compile_context>
chip_gen: v7x
topology: tpu7x:2x2x1
jax: 0.10.2.dev20260603
libtpu: 0.0.44.dev20260713+nightly
codegen_flags: <defaults>
</compile_context>

<pallas_src>
import functools

import jax
import jax.numpy as jnp
from jax import lax
from jax.experimental import pallas as pl
from jax.experimental.pallas import tpu as pltpu
from jax.experimental.pallas import tpu_sc as plsc

NC, NS = 2, 16
NW = NC * NS
CSZ = 4096


def _sc_table(B, C, EMB, V, Et, XiT, XvT, wb):
  NP = C * EMB
  TPT = (NP + NW - 1) // NW
  CH = B // CSZ
  assert B % CSZ == 0 and CH % 2 == 0

  mesh = plsc.VectorSubcoreMesh(core_axis_name="c", subcore_axis_name="s")

  @functools.partial(
      pl.kernel,
      out_type=jax.ShapeDtypeStruct((NP, B), jnp.float32),
      mesh=mesh,
      compiler_params=pltpu.CompilerParams(
          use_tc_tiling_on_sc=False, needs_layout_passes=False),
      scratch_types=[
          pltpu.VMEM((V,), jnp.float32),
          pltpu.VMEM((CSZ,), jnp.int32),
          pltpu.VMEM((CSZ,), jnp.int32),
          pltpu.VMEM((CSZ,), jnp.float32),
          pltpu.VMEM((CSZ,), jnp.float32),
          pltpu.VMEM((2, EMB), jnp.float32),
          pltpu.SemaphoreType.DMA,
          pltpu.SemaphoreType.DMA,
          pltpu.SemaphoreType.DMA,
      ],
  )
  def sck(er, xitr, xvtr, wbr, outr,
          plane, idxA, idxB, xvA, xvB, wb_v, semp, sems, semo):
    wid = lax.axis_index("s") * NC + lax.axis_index("c")
    pltpu.sync_copy(wbr, wb_v)

    def task(k, carry):
      p = k * NW + wid

      @pl.when(p < NP)
      def _():
        i = p // EMB
        e = p % EMB

        esplat = jnp.full((16,), e, jnp.int32)
        zeros = jnp.zeros((16,), jnp.int32)
        ws = plsc.load_gather(wb_v, [zeros, esplat])
        bs = plsc.load_gather(wb_v, [zeros + 1, esplat])

        pcp = pltpu.async_copy(
            er.at[jnp.maximum(i - 1, 0), e], plane, semp)

        outd = [None, None]
        for cs in range(CH):
          ib, xb = (idxA, xvA) if cs % 2 == 0 else (idxB, xvB)
          if outd[cs % 2] is not None:
            outd[cs % 2].wait()
          icp = pltpu.async_copy(
              xitr.at[i, pl.ds(cs * CSZ, CSZ)], ib, sems)
          xcp = pltpu.async_copy(
              xvtr.at[i, pl.ds(cs * CSZ, CSZ)], xb, sems)
          if cs == 0:
            pcp.wait()
          icp.wait()
          xcp.wait()

          @pl.when(i == 0)
          def _():
            @plsc.parallel_loop(0, CSZ, step=16)
            def _f0(j):
              xiv = plsc.bitcast(ib[pl.ds(j, 16)], jnp.float32)
              xb[pl.ds(j, 16)] = (xiv * ws + bs) * xb[pl.ds(j, 16)]

          @pl.when(i > 0)
          def _():
            @plsc.parallel_loop(0, CSZ, step=16)
            def _gather(j):
              vals = plsc.load_gather(plane, [ib[pl.ds(j, 16)]])
              xb[pl.ds(j, 16)] = vals * xb[pl.ds(j, 16)]

          outd[cs % 2] = pltpu.async_copy(
              xb, outr.at[p, pl.ds(cs * CSZ, CSZ)], semo)
        outd[0].wait()
        outd[1].wait()

      return carry

    lax.fori_loop(0, TPT, task, 0)

  return sck(Et, XiT, XvT, wb)


@jax.jit
def kernel(Xi, Xv, W1, b1, E1, W2, b2, E2):
  B, L, C, D = Xi.shape
  V, EMB = E1.shape[1], E1.shape[2]
  BL = B * L
  XiT = Xi.reshape(BL, C).astype(jnp.int32).T
  xi0 = lax.bitcast_convert_type(XiT[0].astype(jnp.float32), jnp.int32)
  XiTb = jnp.concatenate([xi0[None, :], XiT[1:]], axis=0)
  XvT = Xv.reshape(BL, C).T
  O1 = _sc_table(BL, C, EMB, V, E1.transpose(0, 2, 1), XiTb, XvT,
                 jnp.stack([W1[:, 0], b1]))
  O2 = _sc_table(BL, C, EMB, V, E2.transpose(0, 2, 1), XiTb, XvT,
                 jnp.stack([W2[:, 0], b2]))
  fm_first = O1.T.reshape(B, L, C * EMB)
  fm_second = O2.reshape(C, EMB, BL).transpose(2, 0, 1)
  return fm_first, fm_second

# --- scband reference (transcript-rebuilt; emitter-appended) ---
"""Pipeline reference for scband-deep-fmembedding-23441931501750 (READ-ONLY COPY).

The authoritative reference and input builder live on the scoring server;
editing this copy changes nothing except your own understanding.
"""

import jax, jax.numpy as jnp
import numpy as np


def setup_inputs(seed: int = 0) -> dict:
    key = jax.random.key(seed)
    ks = jax.random.split(key, 8)
    B, L, C, D = 16384, 1, 27, 1
    vocab, emb = 100000, 16
    Xi = jax.random.randint(ks[0], (B, L, C, D), 0, vocab)
    Xv = jax.random.uniform(ks[1], (B, L, C), dtype=jnp.float32)
    W1 = jax.random.normal(ks[2], (emb, 1), dtype=jnp.float32) * 0.05
    b1 = jnp.zeros((emb,), dtype=jnp.float32)
    E1 = jax.random.normal(ks[3], (C - 1, vocab, emb), dtype=jnp.float32) * 0.05
    W2 = jax.random.normal(ks[4], (emb, 1), dtype=jnp.float32) * 0.05
    b2 = jnp.zeros((emb,), dtype=jnp.float32)
    E2 = jax.random.normal(ks[5], (C - 1, vocab, emb), dtype=jnp.float32) * 0.05
    return {"Xi": Xi, "Xv": Xv, "W1": W1, "b1": b1, "E1": E1, "W2": W2, "b2": b2, "E2": E2}


def reference(Xi, Xv, W1, b1, E1, W2, b2, E2):
    B, L, C, D = Xi.shape
    Xi2 = Xi.reshape(B * L, C, D)
    Xv2 = Xv.reshape(B * L, C)
    # field 0 is continuous: Linear(1, emb) applied to float-cast indices
    cont = Xi2[:, 0, :].astype(jnp.float32)  # [BL, 1]
    first_list = [(cont @ W1.T + b1) * Xv2[:, 0:1]]
    for i in range(1, C):
        e = jnp.take(E1[i - 1], Xi2[:, i, :], axis=0)  # [BL, D, emb]
        first_list.append(jnp.sum(e, axis=1) * Xv2[:, i:i + 1])
    fm_first = jnp.concatenate(first_list, axis=1).reshape(B, L, -1)
    second_list = [(cont @ W2.T + b2) * Xv2[:, 0:1]]
    for i in range(1, C):
        e = jnp.take(E2[i - 1], Xi2[:, i, :], axis=0)
        second_list.append(jnp.sum(e, axis=1) * Xv2[:, i:i + 1])
    fm_second = jnp.stack(second_list, axis=1)  # [BL, C, emb]
    return fm_first, fm_second

if __name__ == "__main__":
    import jax
    _d = setup_inputs()
    print(jax.jit(kernel)(*tuple(_d.values())))

</pallas_src>

<mosaic_0001>
#map = affine_map<(d0, d1) -> (0, 0, 0)>
#map1 = affine_map<(d0, d1) -> (0, 0)>
module attributes {stable_mosaic.version = 14 : i64} {
  func.func @sck(%arg0: i32, %arg1: i32, %arg2: memref<26x16x100000xf32, #tpu.memory_space<hbm>>, %arg3: memref<27x16384xi32, #tpu.memory_space<hbm>>, %arg4: memref<27x16384xf32, #tpu.memory_space<hbm>>, %arg5: memref<2x16xf32, #tpu.memory_space<hbm>>, %arg6: memref<432x16384xf32, #tpu.memory_space<hbm>>, %arg7: memref<100000xf32, #tpu.memory_space<vmem>>, %arg8: memref<4096xi32, #tpu.memory_space<vmem>>, %arg9: memref<4096xi32, #tpu.memory_space<vmem>>, %arg10: memref<4096xf32, #tpu.memory_space<vmem>>, %arg11: memref<4096xf32, #tpu.memory_space<vmem>>, %arg12: memref<2x16xf32, #tpu.memory_space<vmem>>, %arg13: memref<!tpu.dma_semaphore, #tpu.memory_space<semaphore_mem>>, %arg14: memref<!tpu.dma_semaphore, #tpu.memory_space<semaphore_mem>>, %arg15: memref<!tpu.dma_semaphore, #tpu.memory_space<semaphore_mem>>) attributes {dimension_semantics = [#tpu.dimension_semantics<core_parallel>, #tpu.dimension_semantics<subcore_parallel>], iteration_bounds = array<i64: 2, 16>, scalar_prefetch = 0 : i64, scratch_operands = 9 : i64, tpu.core_type = #tpu.core_type<sc_vector_subcore>, window_params = [{transform_indices = #map}, {transform_indices = #map1}, {transform_indices = #map1}, {transform_indices = #map1}, {transform_indices = #map1}]} {
    %mul3A = arith.constant 2 : i32
    %mul3A_0 = arith.muli %arg1, %mul3A : i32
    %add3A = arith.addi %mul3A_0, %arg0 : i32
    "tpu.region"() ({
      %run_scoped3A = tpu.sem_alloc : memref<!tpu.dma_semaphore, #tpu.memory_space<semaphore_mem>>
      tpu.enqueue_dma source(%arg5 : memref<2x16xf32, #tpu.memory_space<hbm>>) target(%arg12 : memref<2x16xf32, #tpu.memory_space<vmem>>) target_semaphore(%run_scoped3A : memref<!tpu.dma_semaphore, #tpu.memory_space<semaphore_mem>>)
      tpu.wait_dma2 semaphore(%run_scoped3A : memref<!tpu.dma_semaphore, #tpu.memory_space<semaphore_mem>>) src(%arg5 : memref<2x16xf32, #tpu.memory_space<hbm>>) dst(%arg12 : memref<2x16xf32, #tpu.memory_space<vmem>>)
      tpu.yield
    }) : () -> ()
    %scan3A = arith.constant 0 : i32
    %scan3A_1 = arith.constant 0 : i32
    %scan3A_2 = arith.constant 14 : i32
    %scan3A_3 = arith.addi %scan3A_1, %scan3A_2 : i32
    %scan3A_4 = arith.constant 1 : i32
    scf.for %scan3A_6 = %scan3A_1 to %scan3A_3 step %scan3A_4  : i32 {
      %mul3A_7 = arith.constant 32 : i32
      %mul3A_8 = arith.muli %scan3A_6, %mul3A_7 : i32
      %add3A_9 = arith.addi %mul3A_8, %add3A : i32
      %lt3A = arith.constant 432 : i32
      %lt3A_10 = arith.cmpi slt, %add3A_9, %lt3A : i32
      %convert_element_type3A = arith.extui %lt3A_10 : i1 to i32
      %cond3A = arith.constant 0 : i32
      %cond3A_11 = arith.cmpi ne, %convert_element_type3A, %cond3A : i32
      scf.if %cond3A_11 {
        %jit3A = arith.constant 16 : i32
        %div3A = arith.divsi %add3A_9, %jit3A : i32
        %sign3A = arith.constant 0 : i32
        %sign3A_12 = arith.cmpi sgt, %add3A_9, %sign3A : i32
        %sign3A_13 = arith.extui %sign3A_12 : i1 to i32
        %sign3A_14 = arith.constant 0 : i32
        %sign3A_15 = arith.cmpi slt, %add3A_9, %sign3A_14 : i32
        %sign3A_16 = arith.extui %sign3A_15 : i1 to i32
        %sign3A_17 = arith.subi %sign3A_13, %sign3A_16 : i32
        %sign3A_18 = arith.constant 0 : i32
        %sign3A_19 = arith.cmpi sgt, %jit3A, %sign3A_18 : i32
        %sign3A_20 = arith.extui %sign3A_19 : i1 to i32
        %sign3A_21 = arith.constant 0 : i32
        %sign3A_22 = arith.cmpi slt, %jit3A, %sign3A_21 : i32
        %sign3A_23 = arith.extui %sign3A_22 : i1 to i32
        %sign3A_24 = arith.subi %sign3A_20, %sign3A_23 : i32
        %ne3A = arith.cmpi ne, %sign3A_17, %sign3A_24 : i32
        %rem3A = arith.remsi %add3A_9, %jit3A : i32
        %ne3A_25 = arith.constant 0 : i32
        %ne3A_26 = arith.cmpi ne, %rem3A, %ne3A_25 : i32
        %and3A = arith.andi %ne3A, %ne3A_26 : i1
        %sub3A = arith.constant 1 : i32
        %sub3A_27 = arith.subi %div3A, %sub3A : i32
        %select_n3A = arith.select %and3A, %sub3A_27, %div3A : i32
        %jit3A_28 = arith.constant 16 : i32
        %eq3A = arith.constant 0 : i32
        %eq3A_29 = arith.cmpi eq, %jit3A_28, %eq3A : i32
        %jit3A_30 = arith.constant 1 : i32
        %select_n3A_31 = arith.select %eq3A_29, %jit3A_30, %jit3A_28 : i32
        %rem3A_32 = arith.remsi %add3A_9, %select_n3A_31 : i32
        %ne3A_33 = arith.constant 0 : i32
        %ne3A_34 = arith.cmpi ne, %rem3A_32, %ne3A_33 : i32
        %lt3A_35 = arith.constant 0 : i32
        %lt3A_36 = arith.cmpi slt, %rem3A_32, %lt3A_35 : i32
        %lt3A_37 = arith.constant 0 : i32
        %lt3A_38 = arith.cmpi slt, %select_n3A_31, %lt3A_37 : i32
        %ne3A_39 = arith.xori %lt3A_36, %lt3A_38 : i1
        %and3A_40 = arith.andi %ne3A_39, %ne3A_34 : i1
        %add3A_41 = arith.addi %rem3A_32, %select_n3A_31 : i32
        %select_n3A_42 = arith.select %and3A_40, %add3A_41, %rem3A_32 : i32
        %broadcast_in_dim3A = vector.broadcast %select_n3A_42 : i32 to vector<16xi32>
        %broadcast_in_dim3A_43 = arith.constant 0 : i32
        %broadcast_in_dim3A_44 = vector.broadcast %broadcast_in_dim3A_43 : i32 to vector<16xi32>
        %gather3A = tpu.vector_load_idx %arg12[%broadcast_in_dim3A_44, %broadcast_in_dim3A] : memref<2x16xf32, #tpu.memory_space<vmem>>[vector<16xi32>, vector<16xi32>], vector<16xf32>,
        %add3A_45 = arith.constant 1 : i32
        %add3A_46 = vector.broadcast %add3A_45 : i32 to vector<16xi32>
        %add3A_47 = arith.addi %broadcast_in_dim3A_44, %add3A_46 : vector<16xi32>
        %gather3A_48 = tpu.vector_load_idx %arg12[%add3A_47, %broadcast_in_dim3A] : memref<2x16xf32, #tpu.memory_space<vmem>>[vector<16xi32>, vector<16xi32>], vector<16xf32>,
        %sub3A_49 = arith.constant 1 : i32
        %sub3A_50 = arith.subi %select_n3A, %sub3A_49 : i32
        %max3A = arith.constant 0 : i32
        %max3A_51 = arith.maxsi %sub3A_50, %max3A : i32
        %dma_start3A = arith.constant 0 : i32
        %dma_start3A_52 = tpu.memref_slice %arg2[%max3A_51, %select_n3A_42, %dma_start3A] : memref<26x16x100000xf32, #tpu.memory_space<hbm>> -> memref<1x1x100000xf32, #tpu.memory_space<hbm>>
        %dma_start3A_53 = tpu.memref_squeeze %dma_start3A_52 : memref<1x1x100000xf32, #tpu.memory_space<hbm>> -> memref<100000xf32, #tpu.memory_space<hbm>>
        %dma_start3A_54 = arith.constant 0 : i32
        %dma_start3A_55 = tpu.memref_slice %arg2[%max3A_51, %select_n3A_42, %dma_start3A_54] : memref<26x16x100000xf32, #tpu.memory_space<hbm>> -> memref<1x1x100000xf32, #tpu.memory_space<hbm>>
        %dma_start3A_56 = tpu.memref_squeeze %dma_start3A_55 : memref<1x1x100000xf32, #tpu.memory_space<hbm>> -> memref<100000xf32, #tpu.memory_space<hbm>>
        tpu.enqueue_dma source(%dma_start3A_56 : memref<100000xf32, #tpu.memory_space<hbm>>) target(%arg7 : memref<100000xf32, #tpu.memory_space<vmem>>) target_semaphore(%arg13 : memref<!tpu.dma_semaphore, #tpu.memory_space<semaphore_mem>>)
        %dma_start3A_57 = arith.constant 0 : i32
        %dma_start3A_58 = tpu.memref_slice %arg3[%select_n3A, %dma_start3A_57] : memref<27x16384xi32, #tpu.memory_space<hbm>> -> memref<1x4096xi32, #tpu.memory_space<hbm>>
        %dma_start3A_59 = tpu.memref_squeeze %dma_start3A_58 : memref<1x4096xi32, #tpu.memory_space<hbm>> -> memref<4096xi32, #tpu.memory_space<hbm>>
        %dma_start3A_60 = arith.constant 0 : i32
        %dma_start3A_61 = tpu.memref_slice %arg3[%select_n3A, %dma_start3A_60] : memref<27x16384xi32, #tpu.memory_space<hbm>> -> memref<1x4096xi32, #tpu.memory_space<hbm>>
        %dma_start3A_62 = tpu.memref_squeeze %dma_start3A_61 : memref<1x4096xi32, #tpu.memory_space<hbm>> -> memref<4096xi32, #tpu.memory_space<hbm>>
        tpu.enqueue_dma source(%dma_start3A_62 : memref<4096xi32, #tpu.memory_space<hbm>>) target(%arg8 : memref<4096xi32, #tpu.memory_space<vmem>>) target_semaphore(%arg14 : memref<!tpu.dma_semaphore, #tpu.memory_space<semaphore_mem>>)
        %dma_start3A_63 = arith.constant 0 : i32
        %dma_start3A_64 = tpu.memref_slice %arg4[%select_n3A, %dma_start3A_63] : memref<27x16384xf32, #tpu.memory_space<hbm>> -> memref<1x4096xf32, #tpu.memory_space<hbm>>
        %dma_start3A_65 = tpu.memref_squeeze %dma_start3A_64 : memref<1x4096xf32, #tpu.memory_space<hbm>> -> memref<4096xf32, #tpu.memory_space<hbm>>
        %dma_start3A_66 = arith.constant 0 : i32
        %dma_start3A_67 = tpu.memref_slice %arg4[%select_n3A, %dma_start3A_66] : memref<27x16384xf32, #tpu.memory_space<hbm>> -> memref<1x4096xf32, #tpu.memory_space<hbm>>
        %dma_start3A_68 = tpu.memref_squeeze %dma_start3A_67 : memref<1x4096xf32, #tpu.memory_space<hbm>> -> memref<4096xf32, #tpu.memory_space<hbm>>
        tpu.enqueue_dma source(%dma_start3A_68 : memref<4096xf32, #tpu.memory_space<hbm>>) target(%arg10 : memref<4096xf32, #tpu.memory_space<vmem>>) target_semaphore(%arg14 : memref<!tpu.dma_semaphore, #tpu.memory_space<semaphore_mem>>)
        %dma_wait3A = arith.constant 0 : i32
        %dma_wait3A_69 = tpu.memref_slice %arg2[%max3A_51, %select_n3A_42, %dma_wait3A] : memref<26x16x100000xf32, #tpu.memory_space<hbm>> -> memref<1x1x100000xf32, #tpu.memory_space<hbm>>
        %dma_wait3A_70 = tpu.memref_squeeze %dma_wait3A_69 : memref<1x1x100000xf32, #tpu.memory_space<hbm>> -> memref<100000xf32, #tpu.memory_space<hbm>>
        %dma_wait3A_71 = arith.constant 0 : i32
        %dma_wait3A_72 = tpu.memref_slice %arg2[%max3A_51, %select_n3A_42, %dma_wait3A_71] : memref<26x16x100000xf32, #tpu.memory_space<hbm>> -> memref<1x1x100000xf32, #tpu.memory_space<hbm>>
        %dma_wait3A_73 = tpu.memref_squeeze %dma_wait3A_72 : memref<1x1x100000xf32, #tpu.memory_space<hbm>> -> memref<100000xf32, #tpu.memory_space<hbm>>
        tpu.wait_dma2 semaphore(%arg13 : memref<!tpu.dma_semaphore, #tpu.memory_space<semaphore_mem>>) src(%dma_wait3A_73 : memref<100000xf32, #tpu.memory_space<hbm>>) dst(%arg7 : memref<100000xf32, #tpu.memory_space<vmem>>)
        %dma_wait3A_74 = arith.constant 0 : i32
        %dma_wait3A_75 = tpu.memref_slice %arg3[%select_n3A, %dma_wait3A_74] : memref<27x16384xi32, #tpu.memory_space<hbm>> -> memref<1x4096xi32, #tpu.memory_space<hbm>>
        %dma_wait3A_76 = tpu.memref_squeeze %dma_wait3A_75 : memref<1x4096xi32, #tpu.memory_space<hbm>> -> memref<4096xi32, #tpu.memory_space<hbm>>
        %dma_wait3A_77 = arith.constant 0 : i32
        %dma_wait3A_78 = tpu.memref_slice %arg3[%select_n3A, %dma_wait3A_77] : memref<27x16384xi32, #tpu.memory_space<hbm>> -> memref<1x4096xi32, #tpu.memory_space<hbm>>
        %dma_wait3A_79 = tpu.memref_squeeze %dma_wait3A_78 : memref<1x4096xi32, #tpu.memory_space<hbm>> -> memref<4096xi32, #tpu.memory_space<hbm>>
        tpu.wait_dma2 semaphore(%arg14 : memref<!tpu.dma_semaphore, #tpu.memory_space<semaphore_mem>>) src(%dma_wait3A_79 : memref<4096xi32, #tpu.memory_space<hbm>>) dst(%arg8 : memref<4096xi32, #tpu.memory_space<vmem>>)
        %dma_wait3A_80 = arith.constant 0 : i32
        %dma_wait3A_81 = tpu.memref_slice %arg4[%select_n3A, %dma_wait3A_80] : memref<27x16384xf32, #tpu.memory_space<hbm>> -> memref<1x4096xf32, #tpu.memory_space<hbm>>
        %dma_wait3A_82 = tpu.memref_squeeze %dma_wait3A_81 : memref<1x4096xf32, #tpu.memory_space<hbm>> -> memref<4096xf32, #tpu.memory_space<hbm>>
        %dma_wait3A_83 = arith.constant 0 : i32
        %dma_wait3A_84 = tpu.memref_slice %arg4[%select_n3A, %dma_wait3A_83] : memref<27x16384xf32, #tpu.memory_space<hbm>> -> memref<1x4096xf32, #tpu.memory_space<hbm>>
        %dma_wait3A_85 = tpu.memref_squeeze %dma_wait3A_84 : memref<1x4096xf32, #tpu.memory_space<hbm>> -> memref<4096xf32, #tpu.memory_space<hbm>>
        tpu.wait_dma2 semaphore(%arg14 : memref<!tpu.dma_semaphore, #tpu.memory_space<semaphore_mem>>) src(%dma_wait3A_85 : memref<4096xf32, #tpu.memory_space<hbm>>) dst(%arg10 : memref<4096xf32, #tpu.memory_space<vmem>>)
        %eq3A_86 = arith.constant 0 : i32
        %eq3A_87 = arith.cmpi eq, %select_n3A, %eq3A_86 : i32
        %convert_element_type3A_88 = arith.extui %eq3A_87 : i1 to i32
        %cond3A_89 = arith.constant 0 : i32
        %cond3A_90 = arith.cmpi ne, %convert_element_type3A_88, %cond3A_89 : i32
        scf.if %cond3A_90 {
          %parallel_loop3A = arith.constant 0 : i32
          %parallel_loop3A_245 = arith.constant 4096 : i32
          %parallel_loop3A_246 = arith.constant 16 : i32
          scf.for %parallel_loop3A_247 = %parallel_loop3A to %parallel_loop3A_245 step %parallel_loop3A_246  : i32 {
            %parallel_loop3A_248 = arith.index_cast %parallel_loop3A_247 : i32 to index
            %parallel_loop3A_249 = tpu.vector_load %arg8[%parallel_loop3A_248] {strides = array<i32>} : memref<4096xi32, #tpu.memory_space<vmem>>, vector<16xi32>,
            %parallel_loop3A_250 = vector.bitcast %parallel_loop3A_249 : vector<16xi32> to vector<16xf32>
            %parallel_loop3A_251 = arith.mulf %parallel_loop3A_250, %gather3A : vector<16xf32>
            %parallel_loop3A_252 = arith.addf %parallel_loop3A_251, %gather3A_48 : vector<16xf32>
            %parallel_loop3A_253 = arith.index_cast %parallel_loop3A_247 : i32 to index
            %parallel_loop3A_254 = tpu.vector_load %arg10[%parallel_loop3A_253] {strides = array<i32>} : memref<4096xf32, #tpu.memory_space<vmem>>, vector<16xf32>,
            %parallel_loop3A_255 = arith.mulf %parallel_loop3A_252, %parallel_loop3A_254 : vector<16xf32>
            %parallel_loop3A_256 = arith.index_cast %parallel_loop3A_247 : i32 to index
            %parallel_loop3A_257 = tpu.vector_load %arg10[%parallel_loop3A_256] {strides = array<i32>} : memref<4096xf32, #tpu.memory_space<vmem>>, vector<16xf32>,
            tpu.vector_store %arg10[%parallel_loop3A_256], %parallel_loop3A_255 {strides = array<i32>} : memref<4096xf32, #tpu.memory_space<vmem>>, vector<16xf32>,
          } {sc.loop_unroll_factor = 1 : i64, sc.parallel_access}
        } else {
        }
        %gt3A = arith.constant 0 : i32
        %gt3A_91 = arith.cmpi sgt, %select_n3A, %gt3A : i32
        %convert_element_type3A_92 = arith.extui %gt3A_91 : i1 to i32
        %cond3A_93 = arith.constant 0 : i32
        %cond3A_94 = arith.cmpi ne, %convert_element_type3A_92, %cond3A_93 : i32
        scf.if %cond3A_94 {
          %parallel_loop3A = arith.constant 0 : i32
          %parallel_loop3A_245 = arith.constant 4096 : i32
          %parallel_loop3A_246 = arith.constant 16 : i32
          scf.for %parallel_loop3A_247 = %parallel_loop3A to %parallel_loop3A_245 step %parallel_loop3A_246  : i32 {
            %parallel_loop3A_248 = arith.index_cast %parallel_loop3A_247 : i32 to index
            %parallel_loop3A_249 = tpu.vector_load %arg8[%parallel_loop3A_248] {strides = array<i32>} : memref<4096xi32, #tpu.memory_space<vmem>>, vector<16xi32>,
            %parallel_loop3A_250 = tpu.vector_load_idx %arg7[%parallel_loop3A_249] : memref<100000xf32, #tpu.memory_space<vmem>>[vector<16xi32>], vector<16xf32>,
            %parallel_loop3A_251 = arith.index_cast %parallel_loop3A_247 : i32 to index
            %parallel_loop3A_252 = tpu.vector_load %arg10[%parallel_loop3A_251] {strides = array<i32>} : memref<4096xf32, #tpu.memory_space<vmem>>, vector<16xf32>,
            %parallel_loop3A_253 = arith.mulf %parallel_loop3A_250, %parallel_loop3A_252 : vector<16xf32>
            %parallel_loop3A_254 = arith.index_cast %parallel_loop3A_247 : i32 to index
            %parallel_loop3A_255 = tpu.vector_load %arg10[%parallel_loop3A_254] {strides = array<i32>} : memref<4096xf32, #tpu.memory_space<vmem>>, vector<16xf32>,
            tpu.vector_store %arg10[%parallel_loop3A_254], %parallel_loop3A_253 {strides = array<i32>} : memref<4096xf32, #tpu.memory_space<vmem>>, vector<16xf32>,
          } {sc.loop_unroll_factor = 1 : i64, sc.parallel_access}
        } else {
        }
        %dma_start3A_95 = arith.constant 0 : i32
        %dma_start3A_96 = tpu.memref_slice %arg6[%add3A_9, %dma_start3A_95] : memref<432x16384xf32, #tpu.memory_space<hbm>> -> memref<1x4096xf32, #tpu.memory_space<hbm>>
        %dma_start3A_97 = tpu.memref_squeeze %dma_start3A_96 : memref<1x4096xf32, #tpu.memory_space<hbm>> -> memref<4096xf32, #tpu.memory_space<hbm>>
        %dma_start3A_98 = arith.constant 0 : i32
        %dma_start3A_99 = tpu.memref_slice %arg6[%add3A_9, %dma_start3A_98] : memref<432x16384xf32, #tpu.memory_space<hbm>> -> memref<1x4096xf32, #tpu.memory_space<hbm>>
        %dma_start3A_100 = tpu.memref_squeeze %dma_start3A_99 : memref<1x4096xf32, #tpu.memory_space<hbm>> -> memref<4096xf32, #tpu.memory_space<hbm>>
        tpu.enqueue_dma source(%arg10 : memref<4096xf32, #tpu.memory_space<vmem>>) target(%dma_start3A_100 : memref<4096xf32, #tpu.memory_space<hbm>>) target_semaphore(%arg15 : memref<!tpu.dma_semaphore, #tpu.memory_space<semaphore_mem>>)
        %dma_start3A_101 = arith.constant 4096 : i32
        %dma_start3A_102 = tpu.memref_slice %arg3[%select_n3A, %dma_start3A_101] : memref<27x16384xi32, #tpu.memory_space<hbm>> -> memref<1x4096xi32, #tpu.memory_space<hbm>>
        %dma_start3A_103 = tpu.memref_squeeze %dma_start3A_102 : memref<1x4096xi32, #tpu.memory_space<hbm>> -> memref<4096xi32, #tpu.memory_space<hbm>>
        %dma_start3A_104 = arith.constant 4096 : i32
        %dma_start3A_105 = tpu.memref_slice %arg3[%select_n3A, %dma_start3A_104] : memref<27x16384xi32, #tpu.memory_space<hbm>> -> memref<1x4096xi32, #tpu.memory_space<hbm>>
        %dma_start3A_106 = tpu.memref_squeeze %dma_start3A_105 : memref<1x4096xi32, #tpu.memory_space<hbm>> -> memref<4096xi32, #tpu.memory_space<hbm>>
        tpu.enqueue_dma source(%dma_start3A_106 : memref<4096xi32, #tpu.memory_space<hbm>>) target(%arg9 : memref<4096xi32, #tpu.memory_space<vmem>>) target_semaphore(%arg14 : memref<!tpu.dma_semaphore, #tpu.memory_space<semaphore_mem>>)
        %dma_start3A_107 = arith.constant 4096 : i32
        %dma_start3A_108 = tpu.memref_slice %arg4[%select_n3A, %dma_start3A_107] : memref<27x16384xf32, #tpu.memory_space<hbm>> -> memref<1x4096xf32, #tpu.memory_space<hbm>>
        %dma_start3A_109 = tpu.memref_squeeze %dma_start3A_108 : memref<1x4096xf32, #tpu.memory_space<hbm>> -> memref<4096xf32, #tpu.memory_space<hbm>>
        %dma_start3A_110 = arith.constant 4096 : i32
        %dma_start3A_111 = tpu.memref_slice %arg4[%select_n3A, %dma_start3A_110] : memref<27x16384xf32, #tpu.memory_space<hbm>> -> memref<1x4096xf32, #tpu.memory_space<hbm>>
        %dma_start3A_112 = tpu.memref_squeeze %dma_start3A_111 : memref<1x4096xf32, #tpu.memory_space<hbm>> -> memref<4096xf32, #tpu.memory_space<hbm>>
        tpu.enqueue_dma source(%dma_start3A_112 : memref<4096xf32, #tpu.memory_space<hbm>>) target(%arg11 : memref<4096xf32, #tpu.memory_space<vmem>>) target_semaphore(%arg14 : memref<!tpu.dma_semaphore, #tpu.memory_space<semaphore_mem>>)
        %dma_wait3A_113 = arith.constant 4096 : i32
        %dma_wait3A_114 = tpu.memref_slice %arg3[%select_n3A, %dma_wait3A_113] : memref<27x16384xi32, #tpu.memory_space<hbm>> -> memref<1x4096xi32, #tpu.memory_space<hbm>>
        %dma_wait3A_115 = tpu.memref_squeeze %dma_wait3A_114 : memref<1x4096xi32, #tpu.memory_space<hbm>> -> memref<4096xi32, #tpu.memory_space<hbm>>
        %dma_wait3A_116 = arith.constant 4096 : i32
        %dma_wait3A_117 = tpu.memref_slice %arg3[%select_n3A, %dma_wait3A_116] : memref<27x16384xi32, #tpu.memory_space<hbm>> -> memref<1x4096xi32, #tpu.memory_space<hbm>>
        %dma_wait3A_118 = tpu.memref_squeeze %dma_wait3A_117 : memref<1x4096xi32, #tpu.memory_space<hbm>> -> memref<4096xi32, #tpu.memory_space<hbm>>
        tpu.wait_dma2 semaphore(%arg14 : memref<!tpu.dma_semaphore, #tpu.memory_space<semaphore_mem>>) src(%dma_wait3A_118 : memref<4096xi32, #tpu.memory_space<hbm>>) dst(%arg9 : memref<4096xi32, #tpu.memory_space<vmem>>)
        %dma_wait3A_119 = arith.constant 4096 : i32
        %dma_wait3A_120 = tpu.memref_slice %arg4[%select_n3A, %dma_wait3A_119] : memref<27x16384xf32, #tpu.memory_space<hbm>> -> memref<1x4096xf32, #tpu.memory_space<hbm>>
        %dma_wait3A_121 = tpu.memref_squeeze %dma_wait3A_120 : memref<1x4096xf32, #tpu.memory_space<hbm>> -> memref<4096xf32, #tpu.memory_space<hbm>>
        %dma_wait3A_122 = arith.constant 4096 : i32
        %dma_wait3A_123 = tpu.memref_slice %arg4[%select_n3A, %dma_wait3A_122] : memref<27x16384xf32, #tpu.memory_space<hbm>> -> memref<1x4096xf32, #tpu.memory_space<hbm>>
        %dma_wait3A_124 = tpu.memref_squeeze %dma_wait3A_123 : memref<1x4096xf32, #tpu.memory_space<hbm>> -> memref<4096xf32, #tpu.memory_space<hbm>>
        tpu.wait_dma2 semaphore(%arg14 : memref<!tpu.dma_semaphore, #tpu.memory_space<semaphore_mem>>) src(%dma_wait3A_124 : memref<4096xf32, #tpu.memory_space<hbm>>) dst(%arg11 : memref<4096xf32, #tpu.memory_space<vmem>>)
        %eq3A_125 = arith.constant 0 : i32
        %eq3A_126 = arith.cmpi eq, %select_n3A, %eq3A_125 : i32
        %convert_element_type3A_127 = arith.extui %eq3A_126 : i1 to i32
        %cond3A_128 = arith.constant 0 : i32
        %cond3A_129 = arith.cmpi ne, %convert_element_type3A_127, %cond3A_128 : i32
        scf.if %cond3A_129 {
          %parallel_loop3A = arith.constant 0 : i32
          %parallel_loop3A_245 = arith.constant 4096 : i32
          %parallel_loop3A_246 = arith.constant 16 : i32
          scf.for %parallel_loop3A_247 = %parallel_loop3A to %parallel_loop3A_245 step %parallel_loop3A_246  : i32 {
            %parallel_loop3A_248 = arith.index_cast %parallel_loop3A_247 : i32 to index
            %parallel_loop3A_249 = tpu.vector_load %arg9[%parallel_loop3A_248] {strides = array<i32>} : memref<4096xi32, #tpu.memory_space<vmem>>, vector<16xi32>,
            %parallel_loop3A_250 = vector.bitcast %parallel_loop3A_249 : vector<16xi32> to vector<16xf32>
            %parallel_loop3A_251 = arith.mulf %parallel_loop3A_250, %gather3A : vector<16xf32>
            %parallel_loop3A_252 = arith.addf %parallel_loop3A_251, %gather3A_48 : vector<16xf32>
            %parallel_loop3A_253 = arith.index_cast %parallel_loop3A_247 : i32 to index
            %parallel_loop3A_254 = tpu.vector_load %arg11[%parallel_loop3A_253] {strides = array<i32>} : memref<4096xf32, #tpu.memory_space<vmem>>, vector<16xf32>,
            %parallel_loop3A_255 = arith.mulf %parallel_loop3A_252, %parallel_loop3A_254 : vector<16xf32>
            %parallel_loop3A_256 = arith.index_cast %parallel_loop3A_247 : i32 to index
            %parallel_loop3A_257 = tpu.vector_load %arg11[%parallel_loop3A_256] {strides = array<i32>} : memref<4096xf32, #tpu.memory_space<vmem>>, vector<16xf32>,
            tpu.vector_store %arg11[%parallel_loop3A_256], %parallel_loop3A_255 {strides = array<i32>} : memref<4096xf32, #tpu.memory_space<vmem>>, vector<16xf32>,
          } {sc.loop_unroll_factor = 1 : i64, sc.parallel_access}
        } else {
        }
        %gt3A_130 = arith.constant 0 : i32
        %gt3A_131 = arith.cmpi sgt, %select_n3A, %gt3A_130 : i32
        %convert_element_type3A_132 = arith.extui %gt3A_131 : i1 to i32
        %cond3A_133 = arith.constant 0 : i32
        %cond3A_134 = arith.cmpi ne, %convert_element_type3A_132, %cond3A_133 : i32
        scf.if %cond3A_134 {
          %parallel_loop3A = arith.constant 0 : i32
          %parallel_loop3A_245 = arith.constant 4096 : i32
          %parallel_loop3A_246 = arith.constant 16 : i32
          scf.for %parallel_loop3A_247 = %parallel_loop3A to %parallel_loop3A_245 step %parallel_loop3A_246  : i32 {
            %parallel_loop3A_248 = arith.index_cast %parallel_loop3A_247 : i32 to index
            %parallel_loop3A_249 = tpu.vector_load %arg9[%parallel_loop3A_248] {strides = array<i32>} : memref<4096xi32, #tpu.memory_space<vmem>>, vector<16xi32>,
            %parallel_loop3A_250 = tpu.vector_load_idx %arg7[%parallel_loop3A_249] : memref<100000xf32, #tpu.memory_space<vmem>>[vector<16xi32>], vector<16xf32>,
            %parallel_loop3A_251 = arith.index_cast %parallel_loop3A_247 : i32 to index
            %parallel_loop3A_252 = tpu.vector_load %arg11[%parallel_loop3A_251] {strides = array<i32>} : memref<4096xf32, #tpu.memory_space<vmem>>, vector<16xf32>,
            %parallel_loop3A_253 = arith.mulf %parallel_loop3A_250, %parallel_loop3A_252 : vector<16xf32>
            %parallel_loop3A_254 = arith.index_cast %parallel_loop3A_247 : i32 to index
            %parallel_loop3A_255 = tpu.vector_load %arg11[%parallel_loop3A_254] {strides = array<i32>} : memref<4096xf32, #tpu.memory_space<vmem>>, vector<16xf32>,
            tpu.vector_store %arg11[%parallel_loop3A_254], %parallel_loop3A_253 {strides = array<i32>} : memref<4096xf32, #tpu.memory_space<vmem>>, vector<16xf32>,
          } {sc.loop_unroll_factor = 1 : i64, sc.parallel_access}
        } else {
        }
        %dma_start3A_135 = arith.constant 4096 : i32
        %dma_start3A_136 = tpu.memref_slice %arg6[%add3A_9, %dma_start3A_135] : memref<432x16384xf32, #tpu.memory_space<hbm>> -> memref<1x4096xf32, #tpu.memory_space<hbm>>
        %dma_start3A_137 = tpu.memref_squeeze %dma_start3A_136 : memref<1x4096xf32, #tpu.memory_space<hbm>> -> memref<4096xf32, #tpu.memory_space<hbm>>
        %dma_start3A_138 = arith.constant 4096 : i32
        %dma_start3A_139 = tpu.memref_slice %arg6[%add3A_9, %dma_start3A_138] : memref<432x16384xf32, #tpu.memory_space<hbm>> -> memref<1x4096xf32, #tpu.memory_space<hbm>>
        %dma_start3A_140 = tpu.memref_squeeze %dma_start3A_139 : memref<1x4096xf32, #tpu.memory_space<hbm>> -> memref<4096xf32, #tpu.memory_space<hbm>>
        tpu.enqueue_dma source(%arg11 : memref<4096xf32, #tpu.memory_space<vmem>>) target(%dma_start3A_140 : memref<4096xf32, #tpu.memory_space<hbm>>) target_semaphore(%arg15 : memref<!tpu.dma_semaphore, #tpu.memory_space<semaphore_mem>>)
        %dma_wait3A_141 = arith.constant 0 : i32
        %dma_wait3A_142 = tpu.memref_slice %arg6[%add3A_9, %dma_wait3A_141] : memref<432x16384xf32, #tpu.memory_space<hbm>> -> memref<1x4096xf32, #tpu.memory_space<hbm>>
        %dma_wait3A_143 = tpu.memref_squeeze %dma_wait3A_142 : memref<1x4096xf32, #tpu.memory_space<hbm>> -> memref<4096xf32, #tpu.memory_space<hbm>>
        %dma_wait3A_144 = arith.constant 0 : i32
        %dma_wait3A_145 = tpu.memref_slice %arg6[%add3A_9, %dma_wait3A_144] : memref<432x16384xf32, #tpu.memory_space<hbm>> -> memref<1x4096xf32, #tpu.memory_space<hbm>>
        %dma_wait3A_146 = tpu.memref_squeeze %dma_wait3A_145 : memref<1x4096xf32, #tpu.memory_space<hbm>> -> memref<4096xf32, #tpu.memory_space<hbm>>
        tpu.wait_dma2 semaphore(%arg15 : memref<!tpu.dma_semaphore, #tpu.memory_space<semaphore_mem>>) src(%arg10 : memref<4096xf32, #tpu.memory_space<vmem>>) dst(%dma_wait3A_146 : memref<4096xf32, #tpu.memory_space<hbm>>)
        %dma_start3A_147 = arith.constant 8192 : i32
        %dma_start3A_148 = tpu.memref_slice %arg3[%select_n3A, %dma_start3A_147] : memref<27x16384xi32, #tpu.memory_space<hbm>> -> memref<1x4096xi32, #tpu.memory_space<hbm>>
        %dma_start3A_149 = tpu.memref_squeeze %dma_start3A_148 : memref<1x4096xi32, #tpu.memory_space<hbm>> -> memref<4096xi32, #tpu.memory_space<hbm>>
        %dma_start3A_150 = arith.constant 8192 : i32
        %dma_start3A_151 = tpu.memref_slice %arg3[%select_n3A, %dma_start3A_150] : memref<27x16384xi32, #tpu.memory_space<hbm>> -> memref<1x4096xi32, #tpu.memory_space<hbm>>
        %dma_start3A_152 = tpu.memref_squeeze %dma_start3A_151 : memref<1x4096xi32, #tpu.memory_space<hbm>> -> memref<4096xi32, #tpu.memory_space<hbm>>
        tpu.enqueue_dma source(%dma_start3A_152 : memref<4096xi32, #tpu.memory_space<hbm>>) target(%arg8 : memref<4096xi32, #tpu.memory_space<vmem>>) target_semaphore(%arg14 : memref<!tpu.dma_semaphore, #tpu.memory_space<semaphore_mem>>)
        %dma_start3A_153 = arith.constant 8192 : i32
        %dma_start3A_154 = tpu.memref_slice %arg4[%select_n3A, %dma_start3A_153] : memref<27x16384xf32, #tpu.memory_space<hbm>> -> memref<1x4096xf32, #tpu.memory_space<hbm>>
        %dma_start3A_155 = tpu.memref_squeeze %dma_start3A_154 : memref<1x4096xf32, #tpu.memory_space<hbm>> -> memref<4096xf32, #tpu.memory_space<hbm>>
        %dma_start3A_156 = arith.constant 8192 : i32
        %dma_start3A_157 = tpu.memref_slice %arg4[%select_n3A, %dma_start3A_156] : memref<27x16384xf32, #tpu.memory_space<hbm>> -> memref<1x4096xf32, #tpu.memory_space<hbm>>
        %dma_start3A_158 = tpu.memref_squeeze %dma_start3A_157 : memref<1x4096xf32, #tpu.memory_space<hbm>> -> memref<4096xf32, #tpu.memory_space<hbm>>
        tpu.enqueue_dma source(%dma_start3A_158 : memref<4096xf32, #tpu.memory_space<hbm>>) target(%arg10 : memref<4096xf32, #tpu.memory_space<vmem>>) target_semaphore(%arg14 : memref<!tpu.dma_semaphore, #tpu.memory_space<semaphore_mem>>)
        %dma_wait3A_159 = arith.constant 8192 : i32
        %dma_wait3A_160 = tpu.memref_slice %arg3[%select_n3A, %dma_wait3A_159] : memref<27x16384xi32, #tpu.memory_space<hbm>> -> memref<1x4096xi32, #tpu.memory_space<hbm>>
        %dma_wait3A_161 = tpu.memref_squeeze %dma_wait3A_160 : memref<1x4096xi32, #tpu.memory_space<hbm>> -> memref<4096xi32, #tpu.memory_space<hbm>>
        %dma_wait3A_162 = arith.constant 8192 : i32
        %dma_wait3A_163 = tpu.memref_slice %arg3[%select_n3A, %dma_wait3A_162] : memref<27x16384xi32, #tpu.memory_space<hbm>> -> memref<1x4096xi32, #tpu.memory_space<hbm>>
        %dma_wait3A_164 = tpu.memref_squeeze %dma_wait3A_163 : memref<1x4096xi32, #tpu.memory_space<hbm>> -> memref<4096xi32, #tpu.memory_space<hbm>>
        tpu.wait_dma2 semaphore(%arg14 : memref<!tpu.dma_semaphore, #tpu.memory_space<semaphore_mem>>) src(%dma_wait3A_164 : memref<4096xi32, #tpu.memory_space<hbm>>) dst(%arg8 : memref<4096xi32, #tpu.memory_space<vmem>>)
        %dma_wait3A_165 = arith.constant 8192 : i32
        %dma_wait3A_166 = tpu.memref_slice %arg4[%select_n3A, %dma_wait3A_165] : memref<27x16384xf32, #tpu.memory_space<hbm>> -> memref<1x4096xf32, #tpu.memory_space<hbm>>
        %dma_wait3A_167 = tpu.memref_squeeze %dma_wait3A_166 : memref<1x4096xf32, #tpu.memory_space<hbm>> -> memref<4096xf32, #tpu.memory_space<hbm>>
        %dma_wait3A_168 = arith.constant 8192 : i32
        %dma_wait3A_169 = tpu.memref_slice %arg4[%select_n3A, %dma_wait3A_168] : memref<27x16384xf32, #tpu.memory_space<hbm>> -> memref<1x4096xf32, #tpu.memory_space<hbm>>
        %dma_wait3A_170 = tpu.memref_squeeze %dma_wait3A_169 : memref<1x4096xf32, #tpu.memory_space<hbm>> -> memref<4096xf32, #tpu.memory_space<hbm>>
        tpu.wait_dma2 semaphore(%arg14 : memref<!tpu.dma_semaphore, #tpu.memory_space<semaphore_mem>>) src(%dma_wait3A_170 : memref<4096xf32, #tpu.memory_space<hbm>>) dst(%arg10 : memref<4096xf32, #tpu.memory_space<vmem>>)
        %eq3A_171 = arith.constant 0 : i32
        %eq3A_172 = arith.cmpi eq, %select_n3A, %eq3A_171 : i32
        %convert_element_type3A_173 = arith.extui %eq3A_172 : i1 to i32
        %cond3A_174 = arith.constant 0 : i32
        %cond3A_175 = arith.cmpi ne, %convert_element_type3A_173, %cond3A_174 : i32
        scf.if %cond3A_175 {
          %parallel_loop3A = arith.constant 0 : i32
          %parallel_loop3A_245 = arith.constant 4096 : i32
          %parallel_loop3A_246 = arith.constant 16 : i32
          scf.for %parallel_loop3A_247 = %parallel_loop3A to %parallel_loop3A_245 step %parallel_loop3A_246  : i32 {
            %parallel_loop3A_248 = arith.index_cast %parallel_loop3A_247 : i32 to index
            %parallel_loop3A_249 = tpu.vector_load %arg8[%parallel_loop3A_248] {strides = array<i32>} : memref<4096xi32, #tpu.memory_space<vmem>>, vector<16xi32>,
            %parallel_loop3A_250 = vector.bitcast %parallel_loop3A_249 : vector<16xi32> to vector<16xf32>
            %parallel_loop3A_251 = arith.mulf %parallel_loop3A_250, %gather3A : vector<16xf32>
            %parallel_loop3A_252 = arith.addf %parallel_loop3A_251, %gather3A_48 : vector<16xf32>
            %parallel_loop3A_253 = arith.index_cast %parallel_loop3A_247 : i32 to index
            %parallel_loop3A_254 = tpu.vector_load %arg10[%parallel_loop3A_253] {strides = array<i32>} : memref<4096xf32, #tpu.memory_space<vmem>>, vector<16xf32>,
            %parallel_loop3A_255 = arith.mulf %parallel_loop3A_252, %parallel_loop3A_254 : vector<16xf32>
            %parallel_loop3A_256 = arith.index_cast %parallel_loop3A_247 : i32 to index
            %parallel_loop3A_257 = tpu.vector_load %arg10[%parallel_loop3A_256] {strides = array<i32>} : memref<4096xf32, #tpu.memory_space<vmem>>, vector<16xf32>,
            tpu.vector_store %arg10[%parallel_loop3A_256], %parallel_loop3A_255 {strides = array<i32>} : memref<4096xf32, #tpu.memory_space<vmem>>, vector<16xf32>,
          } {sc.loop_unroll_factor = 1 : i64, sc.parallel_access}
        } else {
        }
        %gt3A_176 = arith.constant 0 : i32
        %gt3A_177 = arith.cmpi sgt, %select_n3A, %gt3A_176 : i32
        %convert_element_type3A_178 = arith.extui %gt3A_177 : i1 to i32
        %cond3A_179 = arith.constant 0 : i32
        %cond3A_180 = arith.cmpi ne, %convert_element_type3A_178, %cond3A_179 : i32
        scf.if %cond3A_180 {
          %parallel_loop3A = arith.constant 0 : i32
          %parallel_loop3A_245 = arith.constant 4096 : i32
          %parallel_loop3A_246 = arith.constant 16 : i32
          scf.for %parallel_loop3A_247 = %parallel_loop3A to %parallel_loop3A_245 step %parallel_loop3A_246  : i32 {
            %parallel_loop3A_248 = arith.index_cast %parallel_loop3A_247 : i32 to index
            %parallel_loop3A_249 = tpu.vector_load %arg8[%parallel_loop3A_248] {strides = array<i32>} : memref<4096xi32, #tpu.memory_space<vmem>>, vector<16xi32>,
            %parallel_loop3A_250 = tpu.vector_load_idx %arg7[%parallel_loop3A_249] : memref<100000xf32, #tpu.memory_space<vmem>>[vector<16xi32>], vector<16xf32>,
            %parallel_loop3A_251 = arith.index_cast %parallel_loop3A_247 : i32 to index
            %parallel_loop3A_252 = tpu.vector_load %arg10[%parallel_loop3A_251] {strides = array<i32>} : memref<4096xf32, #tpu.memory_space<vmem>>, vector<16xf32>,
            %parallel_loop3A_253 = arith.mulf %parallel_loop3A_250, %parallel_loop3A_252 : vector<16xf32>
            %parallel_loop3A_254 = arith.index_cast %parallel_loop3A_247 : i32 to index
            %parallel_loop3A_255 = tpu.vector_load %arg10[%parallel_loop3A_254] {strides = array<i32>} : memref<4096xf32, #tpu.memory_space<vmem>>, vector<16xf32>,
            tpu.vector_store %arg10[%parallel_loop3A_254], %parallel_loop3A_253 {strides = array<i32>} : memref<4096xf32, #tpu.memory_space<vmem>>, vector<16xf32>,
          } {sc.loop_unroll_factor = 1 : i64, sc.parallel_access}
        } else {
        }
        %dma_start3A_181 = arith.constant 8192 : i32
        %dma_start3A_182 = tpu.memref_slice %arg6[%add3A_9, %dma_start3A_181] : memref<432x16384xf32, #tpu.memory_space<hbm>> -> memref<1x4096xf32, #tpu.memory_space<hbm>>
        %dma_start3A_183 = tpu.memref_squeeze %dma_start3A_182 : memref<1x4096xf32, #tpu.memory_space<hbm>> -> memref<4096xf32, #tpu.memory_space<hbm>>
        %dma_start3A_184 = arith.constant 8192 : i32
        %dma_start3A_185 = tpu.memref_slice %arg6[%add3A_9, %dma_start3A_184] : memref<432x16384xf32, #tpu.memory_space<hbm>> -> memref<1x4096xf32, #tpu.memory_space<hbm>>
        %dma_start3A_186 = tpu.memref_squeeze %dma_start3A_185 : memref<1x4096xf32, #tpu.memory_space<hbm>> -> memref<4096xf32, #tpu.memory_space<hbm>>
        tpu.enqueue_dma source(%arg10 : memref<4096xf32, #tpu.memory_space<vmem>>) target(%dma_start3A_186 : memref<4096xf32, #tpu.memory_space<hbm>>) target_semaphore(%arg15 : memref<!tpu.dma_semaphore, #tpu.memory_space<semaphore_mem>>)
        %dma_wait3A_187 = arith.constant 4096 : i32
        %dma_wait3A_188 = tpu.memref_slice %arg6[%add3A_9, %dma_wait3A_187] : memref<432x16384xf32, #tpu.memory_space<hbm>> -> memref<1x4096xf32, #tpu.memory_space<hbm>>
        %dma_wait3A_189 = tpu.memref_squeeze %dma_wait3A_188 : memref<1x4096xf32, #tpu.memory_space<hbm>> -> memref<4096xf32, #tpu.memory_space<hbm>>
        %dma_wait3A_190 = arith.constant 4096 : i32
        %dma_wait3A_191 = tpu.memref_slice %arg6[%add3A_9, %dma_wait3A_190] : memref<432x16384xf32, #tpu.memory_space<hbm>> -> memref<1x4096xf32, #tpu.memory_space<hbm>>
        %dma_wait3A_192 = tpu.memref_squeeze %dma_wait3A_191 : memref<1x4096xf32, #tpu.memory_space<hbm>> -> memref<4096xf32, #tpu.memory_space<hbm>>
        tpu.wait_dma2 semaphore(%arg15 : memref<!tpu.dma_semaphore, #tpu.memory_space<semaphore_mem>>) src(%arg11 : memref<4096xf32, #tpu.memory_space<vmem>>) dst(%dma_wait3A_192 : memref<4096xf32, #tpu.memory_space<hbm>>)
        %dma_start3A_193 = arith.constant 12288 : i32
        %dma_start3A_194 = tpu.memref_slice %arg3[%select_n3A, %dma_start3A_193] : memref<27x16384xi32, #tpu.memory_space<hbm>> -> memref<1x4096xi32, #tpu.memory_space<hbm>>
        %dma_start3A_195 = tpu.memref_squeeze %dma_start3A_194 : memref<1x4096xi32, #tpu.memory_space<hbm>> -> memref<4096xi32, #tpu.memory_space<hbm>>
        %dma_start3A_196 = arith.constant 12288 : i32
        %dma_start3A_197 = tpu.memref_slice %arg3[%select_n3A, %dma_start3A_196] : memref<27x16384xi32, #tpu.memory_space<hbm>> -> memref<1x4096xi32, #tpu.memory_space<hbm>>
        %dma_start3A_198 = tpu.memref_squeeze %dma_start3A_197 : memref<1x4096xi32, #tpu.memory_space<hbm>> -> memref<4096xi32, #tpu.memory_space<hbm>>
        tpu.enqueue_dma source(%dma_start3A_198 : memref<4096xi32, #tpu.memory_space<hbm>>) target(%arg9 : memref<4096xi32, #tpu.memory_space<vmem>>) target_semaphore(%arg14 : memref<!tpu.dma_semaphore, #tpu.memory_space<semaphore_mem>>)
        %dma_start3A_199 = arith.constant 12288 : i32
        %dma_start3A_200 = tpu.memref_slice %arg4[%select_n3A, %dma_start3A_199] : memref<27x16384xf32, #tpu.memory_space<hbm>> -> memref<1x4096xf32, #tpu.memory_space<hbm>>
        %dma_start3A_201 = tpu.memref_squeeze %dma_start3A_200 : memref<1x4096xf32, #tpu.memory_space<hbm>> -> memref<4096xf32, #tpu.memory_space<hbm>>
        %dma_start3A_202 = arith.constant 12288 : i32
        %dma_start3A_203 = tpu.memref_slice %arg4[%select_n3A, %dma_start3A_202] : memref<27x16384xf32, #tpu.memory_space<hbm>> -> memref<1x4096xf32, #tpu.memory_space<hbm>>
        %dma_start3A_204 = tpu.memref_squeeze %dma_start3A_203 : memref<1x4096xf32, #tpu.memory_space<hbm>> -> memref<4096xf32, #tpu.memory_space<hbm>>
        tpu.enqueue_dma source(%dma_start3A_204 : memref<4096xf32, #tpu.memory_space<hbm>>) target(%arg11 : memref<4096xf32, #tpu.memory_space<vmem>>) target_semaphore(%arg14 : memref<!tpu.dma_semaphore, #tpu.memory_space<semaphore_mem>>)
        %dma_wait3A_205 = arith.constant 12288 : i32
        %dma_wait3A_206 = tpu.memref_slice %arg3[%select_n3A, %dma_wait3A_205] : memref<27x16384xi32, #tpu.memory_space<hbm>> -> memref<1x4096xi32, #tpu.memory_space<hbm>>
        %dma_wait3A_207 = tpu.memref_squeeze %dma_wait3A_206 : memref<1x4096xi32, #tpu.memory_space<hbm>> -> memref<4096xi32, #tpu.memory_space<hbm>>
        %dma_wait3A_208 = arith.constant 12288 : i32
        %dma_wait3A_209 = tpu.memref_slice %arg3[%select_n3A, %dma_wait3A_208] : memref<27x16384xi32, #tpu.memory_space<hbm>> -> memref<1x4096xi32, #tpu.memory_space<hbm>>
        %dma_wait3A_210 = tpu.memref_squeeze %dma_wait3A_209 : memref<1x4096xi32, #tpu.memory_space<hbm>> -> memref<4096xi32, #tpu.memory_space<hbm>>
        tpu.wait_dma2 semaphore(%arg14 : memref<!tpu.dma_semaphore, #tpu.memory_space<semaphore_mem>>) src(%dma_wait3A_210 : memref<4096xi32, #tpu.memory_space<hbm>>) dst(%arg9 : memref<4096xi32, #tpu.memory_space<vmem>>)
        %dma_wait3A_211 = arith.constant 12288 : i32
        %dma_wait3A_212 = tpu.memref_slice %arg4[%select_n3A, %dma_wait3A_211] : memref<27x16384xf32, #tpu.memory_space<hbm>> -> memref<1x4096xf32, #tpu.memory_space<hbm>>
        %dma_wait3A_213 = tpu.memref_squeeze %dma_wait3A_212 : memref<1x4096xf32, #tpu.memory_space<hbm>> -> memref<4096xf32, #tpu.memory_space<hbm>>
        %dma_wait3A_214 = arith.constant 12288 : i32
        %dma_wait3A_215 = tpu.memref_slice %arg4[%select_n3A, %dma_wait3A_214] : memref<27x16384xf32, #tpu.memory_space<hbm>> -> memref<1x4096xf32, #tpu.memory_space<hbm>>
        %dma_wait3A_216 = tpu.memref_squeeze %dma_wait3A_215 : memref<1x4096xf32, #tpu.memory_space<hbm>> -> memref<4096xf32, #tpu.memory_space<hbm>>
        tpu.wait_dma2 semaphore(%arg14 : memref<!tpu.dma_semaphore, #tpu.memory_space<semaphore_mem>>) src(%dma_wait3A_216 : memref<4096xf32, #tpu.memory_space<hbm>>) dst(%arg11 : memref<4096xf32, #tpu.memory_space<vmem>>)
        %eq3A_217 = arith.constant 0 : i32
        %eq3A_218 = arith.cmpi eq, %select_n3A, %eq3A_217 : i32
        %convert_element_type3A_219 = arith.extui %eq3A_218 : i1 to i32
        %cond3A_220 = arith.constant 0 : i32
        %cond3A_221 = arith.cmpi ne, %convert_element_type3A_219, %cond3A_220 : i32
        scf.if %cond3A_221 {
          %parallel_loop3A = arith.constant 0 : i32
          %parallel_loop3A_245 = arith.constant 4096 : i32
          %parallel_loop3A_246 = arith.constant 16 : i32
          scf.for %parallel_loop3A_247 = %parallel_loop3A to %parallel_loop3A_245 step %parallel_loop3A_246  : i32 {
            %parallel_loop3A_248 = arith.index_cast %parallel_loop3A_247 : i32 to index
            %parallel_loop3A_249 = tpu.vector_load %arg9[%parallel_loop3A_248] {strides = array<i32>} : memref<4096xi32, #tpu.memory_space<vmem>>, vector<16xi32>,
            %parallel_loop3A_250 = vector.bitcast %parallel_loop3A_249 : vector<16xi32> to vector<16xf32>
            %parallel_loop3A_251 = arith.mulf %parallel_loop3A_250, %gather3A : vector<16xf32>
            %parallel_loop3A_252 = arith.addf %parallel_loop3A_251, %gather3A_48 : vector<16xf32>
            %parallel_loop3A_253 = arith.index_cast %parallel_loop3A_247 : i32 to index
            %parallel_loop3A_254 = tpu.vector_load %arg11[%parallel_loop3A_253] {strides = array<i32>} : memref<4096xf32, #tpu.memory_space<vmem>>, vector<16xf32>,
            %parallel_loop3A_255 = arith.mulf %parallel_loop3A_252, %parallel_loop3A_254 : vector<16xf32>
            %parallel_loop3A_256 = arith.index_cast %parallel_loop3A_247 : i32 to index
            %parallel_loop3A_257 = tpu.vector_load %arg11[%parallel_loop3A_256] {strides = array<i32>} : memref<4096xf32, #tpu.memory_space<vmem>>, vector<16xf32>,
            tpu.vector_store %arg11[%parallel_loop3A_256], %parallel_loop3A_255 {strides = array<i32>} : memref<4096xf32, #tpu.memory_space<vmem>>, vector<16xf32>,
          } {sc.loop_unroll_factor = 1 : i64, sc.parallel_access}
        } else {
        }
        %gt3A_222 = arith.constant 0 : i32
        %gt3A_223 = arith.cmpi sgt, %select_n3A, %gt3A_222 : i32
        %convert_element_type3A_224 = arith.extui %gt3A_223 : i1 to i32
        %cond3A_225 = arith.constant 0 : i32
        %cond3A_226 = arith.cmpi ne, %convert_element_type3A_224, %cond3A_225 : i32
        scf.if %cond3A_226 {
          %parallel_loop3A = arith.constant 0 : i32
          %parallel_loop3A_245 = arith.constant 4096 : i32
          %parallel_loop3A_246 = arith.constant 16 : i32
          scf.for %parallel_loop3A_247 = %parallel_loop3A to %parallel_loop3A_245 step %parallel_loop3A_246  : i32 {
            %parallel_loop3A_248 = arith.index_cast %parallel_loop3A_247 : i32 to index
            %parallel_loop3A_249 = tpu.vector_load %arg9[%parallel_loop3A_248] {strides = array<i32>} : memref<4096xi32, #tpu.memory_space<vmem>>, vector<16xi32>,
            %parallel_loop3A_250 = tpu.vector_load_idx %arg7[%parallel_loop3A_249] : memref<100000xf32, #tpu.memory_space<vmem>>[vector<16xi32>], vector<16xf32>,
            %parallel_loop3A_251 = arith.index_cast %parallel_loop3A_247 : i32 to index
            %parallel_loop3A_252 = tpu.vector_load %arg11[%parallel_loop3A_251] {strides = array<i32>} : memref<4096xf32, #tpu.memory_space<vmem>>, vector<16xf32>,
            %parallel_loop3A_253 = arith.mulf %parallel_loop3A_250, %parallel_loop3A_252 : vector<16xf32>
            %parallel_loop3A_254 = arith.index_cast %parallel_loop3A_247 : i32 to index
            %parallel_loop3A_255 = tpu.vector_load %arg11[%parallel_loop3A_254] {strides = array<i32>} : memref<4096xf32, #tpu.memory_space<vmem>>, vector<16xf32>,
            tpu.vector_store %arg11[%parallel_loop3A_254], %parallel_loop3A_253 {strides = array<i32>} : memref<4096xf32, #tpu.memory_space<vmem>>, vector<16xf32>,
          } {sc.loop_unroll_factor = 1 : i64, sc.parallel_access}
        } else {
        }
        %dma_start3A_227 = arith.constant 12288 : i32
        %dma_start3A_228 = tpu.memref_slice %arg6[%add3A_9, %dma_start3A_227] : memref<432x16384xf32, #tpu.memory_space<hbm>> -> memref<1x4096xf32, #tpu.memory_space<hbm>>
        %dma_start3A_229 = tpu.memref_squeeze %dma_start3A_228 : memref<1x4096xf32, #tpu.memory_space<hbm>> -> memref<4096xf32, #tpu.memory_space<hbm>>
        %dma_start3A_230 = arith.constant 12288 : i32
        %dma_start3A_231 = tpu.memref_slice %arg6[%add3A_9, %dma_start3A_230] : memref<432x16384xf32, #tpu.memory_space<hbm>> -> memref<1x4096xf32, #tpu.memory_space<hbm>>
        %dma_start3A_232 = tpu.memref_squeeze %dma_start3A_231 : memref<1x4096xf32, #tpu.memory_space<hbm>> -> memref<4096xf32, #tpu.memory_space<hbm>>
        tpu.enqueue_dma source(%arg11 : memref<4096xf32, #tpu.memory_space<vmem>>) target(%dma_start3A_232 : memref<4096xf32, #tpu.memory_space<hbm>>) target_semaphore(%arg15 : memref<!tpu.dma_semaphore, #tpu.memory_space<semaphore_mem>>)
        %dma_wait3A_233 = arith.constant 8192 : i32
        %dma_wait3A_234 = tpu.memref_slice %arg6[%add3A_9, %dma_wait3A_233] : memref<432x16384xf32, #tpu.memory_space<hbm>> -> memref<1x4096xf32, #tpu.memory_space<hbm>>
        %dma_wait3A_235 = tpu.memref_squeeze %dma_wait3A_234 : memref<1x4096xf32, #tpu.memory_space<hbm>> -> memref<4096xf32, #tpu.memory_space<hbm>>
        %dma_wait3A_236 = arith.constant 8192 : i32
        %dma_wait3A_237 = tpu.memref_slice %arg6[%add3A_9, %dma_wait3A_236] : memref<432x16384xf32, #tpu.memory_space<hbm>> -> memref<1x4096xf32, #tpu.memory_space<hbm>>
        %dma_wait3A_238 = tpu.memref_squeeze %dma_wait3A_237 : memref<1x4096xf32, #tpu.memory_space<hbm>> -> memref<4096xf32, #tpu.memory_space<hbm>>
        tpu.wait_dma2 semaphore(%arg15 : memref<!tpu.dma_semaphore, #tpu.memory_space<semaphore_mem>>) src(%arg10 : memref<4096xf32, #tpu.memory_space<vmem>>) dst(%dma_wait3A_238 : memref<4096xf32, #tpu.memory_space<hbm>>)
        %dma_wait3A_239 = arith.constant 12288 : i32
        %dma_wait3A_240 = tpu.memref_slice %arg6[%add3A_9, %dma_wait3A_239] : memref<432x16384xf32, #tpu.memory_space<hbm>> -> memref<1x4096xf32, #tpu.memory_space<hbm>>
        %dma_wait3A_241 = tpu.memref_squeeze %dma_wait3A_240 : memref<1x4096xf32, #tpu.memory_space<hbm>> -> memref<4096xf32, #tpu.memory_space<hbm>>
        %dma_wait3A_242 = arith.constant 12288 : i32
        %dma_wait3A_243 = tpu.memref_slice %arg6[%add3A_9, %dma_wait3A_242] : memref<432x16384xf32, #tpu.memory_space<hbm>> -> memref<1x4096xf32, #tpu.memory_space<hbm>>
        %dma_wait3A_244 = tpu.memref_squeeze %dma_wait3A_243 : memref<1x4096xf32, #tpu.memory_space<hbm>> -> memref<4096xf32, #tpu.memory_space<hbm>>
        tpu.wait_dma2 semaphore(%arg15 : memref<!tpu.dma_semaphore, #tpu.memory_space<semaphore_mem>>) src(%arg11 : memref<4096xf32, #tpu.memory_space<vmem>>) dst(%dma_wait3A_244 : memref<4096xf32, #tpu.memory_space<hbm>>)
      } else {
      }
    }
    %scan3A_5 = arith.constant 14 : i32
    return
  }
}

#map = affine_map<(d0, d1) -> (0, 0, 0)>
#map1 = affine_map<(d0, d1) -> (0, 0)>
module attributes {stable_mosaic.version = 14 : i64} {
  func.func @sck(%arg0: i32, %arg1: i32, %arg2: memref<26x16x100000xf32, #tpu.memory_space<hbm>>, %arg3: memref<27x16384xi32, #tpu.memory_space<hbm>>, %arg4: memref<27x16384xf32, #tpu.memory_space<hbm>>, %arg5: memref<2x16xf32, #tpu.memory_space<hbm>>, %arg6: memref<432x16384xf32, #tpu.memory_space<hbm>>, %arg7: memref<100000xf32, #tpu.memory_space<vmem>>, %arg8: memref<4096xi32, #tpu.memory_space<vmem>>, %arg9: memref<4096xi32, #tpu.memory_space<vmem>>, %arg10: memref<4096xf32, #tpu.memory_space<vmem>>, %arg11: memref<4096xf32, #tpu.memory_space<vmem>>, %arg12: memref<2x16xf32, #tpu.memory_space<vmem>>, %arg13: memref<!tpu.dma_semaphore, #tpu.memory_space<semaphore_mem>>, %arg14: memref<!tpu.dma_semaphore, #tpu.memory_space<semaphore_mem>>, %arg15: memref<!tpu.dma_semaphore, #tpu.memory_space<semaphore_mem>>) attributes {dimension_semantics = [#tpu.dimension_semantics<core_parallel>, #tpu.dimension_semantics<subcore_parallel>], iteration_bounds = array<i64: 2, 16>, scalar_prefetch = 0 : i64, scratch_operands = 9 : i64, tpu.core_type = #tpu.core_type<sc_vector_subcore>, window_params = [{transform_indices = #map}, {transform_indices = #map1}, {transform_indices = #map1}, {transform_indices = #map1}, {transform_indices = #map1}]} {
    %mul3A = arith.constant 2 : i32
    %mul3A_0 = arith.muli %arg1, %mul3A : i32
    %add3A = arith.addi %mul3A_0, %arg0 : i32
    "tpu.region"() ({
      %run_scoped3A = tpu.sem_alloc : memref<!tpu.dma_semaphore, #tpu.memory_space<semaphore_mem>>
      tpu.enqueue_dma source(%arg5 : memref<2x16xf32, #tpu.memory_space<hbm>>) target(%arg12 : memref<2x16xf32, #tpu.memory_space<vmem>>) target_semaphore(%run_scoped3A : memref<!tpu.dma_semaphore, #tpu.memory_space<semaphore_mem>>)
      tpu.wait_dma2 semaphore(%run_scoped3A : memref<!tpu.dma_semaphore, #tpu.memory_space<semaphore_mem>>) src(%arg5 : memref<2x16xf32, #tpu.memory_space<hbm>>) dst(%arg12 : memref<2x16xf32, #tpu.memory_space<vmem>>)
      tpu.yield
    }) : () -> ()
    %scan3A = arith.constant 0 : i32
    %scan3A_1 = arith.constant 0 : i32
    %scan3A_2 = arith.constant 14 : i32
    %scan3A_3 = arith.addi %scan3A_1, %scan3A_2 : i32
    %scan3A_4 = arith.constant 1 : i32
    scf.for %scan3A_6 = %scan3A_1 to %scan3A_3 step %scan3A_4  : i32 {
      %mul3A_7 = arith.constant 32 : i32
      %mul3A_8 = arith.muli %scan3A_6, %mul3A_7 : i32
      %add3A_9 = arith.addi %mul3A_8, %add3A : i32
      %lt3A = arith.constant 432 : i32
      %lt3A_10 = arith.cmpi slt, %add3A_9, %lt3A : i32
      %convert_element_type3A = arith.extui %lt3A_10 : i1 to i32
      %cond3A = arith.constant 0 : i32
      %cond3A_11 = arith.cmpi ne, %convert_element_type3A, %cond3A : i32
      scf.if %cond3A_11 {
        %jit3A = arith.constant 16 : i32
        %div3A = arith.divsi %add3A_9, %jit3A : i32
        %sign3A = arith.constant 0 : i32
        %sign3A_12 = arith.cmpi sgt, %add3A_9, %sign3A : i32
        %sign3A_13 = arith.extui %sign3A_12 : i1 to i32
        %sign3A_14 = arith.constant 0 : i32
        %sign3A_15 = arith.cmpi slt, %add3A_9, %sign3A_14 : i32
        %sign3A_16 = arith.extui %sign3A_15 : i1 to i32
        %sign3A_17 = arith.subi %sign3A_13, %sign3A_16 : i32
        %sign3A_18 = arith.constant 0 : i32
        %sign3A_19 = arith.cmpi sgt, %jit3A, %sign3A_18 : i32
        %sign3A_20 = arith.extui %sign3A_19 : i1 to i32
        %sign3A_21 = arith.constant 0 : i32
        %sign3A_22 = arith.cmpi slt, %jit3A, %sign3A_21 : i32
        %sign3A_23 = arith.extui %sign3A_22 : i1 to i32
        %sign3A_24 = arith.subi %sign3A_20, %sign3A_23 : i32
        %ne3A = arith.cmpi ne, %sign3A_17, %sign3A_24 : i32
        %rem3A = arith.remsi %add3A_9, %jit3A : i32
        %ne3A_25 = arith.constant 0 : i32
        %ne3A_26 = arith.cmpi ne, %rem3A, %ne3A_25 : i32
        %and3A = arith.andi %ne3A, %ne3A_26 : i1
        %sub3A = arith.constant 1 : i32
        %sub3A_27 = arith.subi %div3A, %sub3A : i32
        %select_n3A = arith.select %and3A, %sub3A_27, %div3A : i32
        %jit3A_28 = arith.constant 16 : i32
        %eq3A = arith.constant 0 : i32
        %eq3A_29 = arith.cmpi eq, %jit3A_28, %eq3A : i32
        %jit3A_30 = arith.constant 1 : i32
        %select_n3A_31 = arith.select %eq3A_29, %jit3A_30, %jit3A_28 : i32
        %rem3A_32 = arith.remsi %add3A_9, %select_n3A_31 : i32
        %ne3A_33 = arith.constant 0 : i32
        %ne3A_34 = arith.cmpi ne, %rem3A_32, %ne3A_33 : i32
        %lt3A_35 = arith.constant 0 : i32
        %lt3A_36 = arith.cmpi slt, %rem3A_32, %lt3A_35 : i32
        %lt3A_37 = arith.constant 0 : i32
        %lt3A_38 = arith.cmpi slt, %select_n3A_31, %lt3A_37 : i32
        %ne3A_39 = arith.xori %lt3A_36, %lt3A_38 : i1
        %and3A_40 = arith.andi %ne3A_39, %ne3A_34 : i1
        %add3A_41 = arith.addi %rem3A_32, %select_n3A_31 : i32
        %select_n3A_42 = arith.select %and3A_40, %add3A_41, %rem3A_32 : i32
        %broadcast_in_dim3A = vector.broadcast %select_n3A_42 : i32 to vector<16xi32>
        %broadcast_in_dim3A_43 = arith.constant 0 : i32
        %broadcast_in_dim3A_44 = vector.broadcast %broadcast_in_dim3A_43 : i32 to vector<16xi32>
        %gather3A = tpu.vector_load_idx %arg12[%broadcast_in_dim3A_44, %broadcast_in_dim3A] : memref<2x16xf32, #tpu.memory_space<vmem>>[vector<16xi32>, vector<16xi32>], vector<16xf32>,
        %add3A_45 = arith.constant 1 : i32
        %add3A_46 = vector.broadcast %add3A_45 : i32 to vector<16xi32>
        %add3A_47 = arith.addi %broadcast_in_dim3A_44, %add3A_46 : vector<16xi32>
        %gather3A_48 = tpu.vector_load_idx %arg12[%add3A_47, %broadcast_in_dim3A] : memref<2x16xf32, #tpu.memory_space<vmem>>[vector<16xi32>, vector<16xi32>], vector<16xf32>,
        %sub3A_49 = arith.constant 1 : i32
        %sub3A_50 = arith.subi %select_n3A, %sub3A_49 : i32
        %max3A = arith.constant 0 : i32
        %max3A_51 = arith.maxsi %sub3A_50, %max3A : i32
        %dma_start3A = arith.constant 0 : i32
        %dma_start3A_52 = tpu.memref_slice %arg2[%max3A_51, %select_n3A_42, %dma_start3A] : memref<26x16x100000xf32, #tpu.memory_space<hbm>> -> memref<1x1x100000xf32, #tpu.memory_space<hbm>>
        %dma_start3A_53 = tpu.memref_squeeze %dma_start3A_52 : memref<1x1x100000xf32, #tpu.memory_space<hbm>> -> memref<100000xf32, #tpu.memory_space<hbm>>
        %dma_start3A_54 = arith.constant 0 : i32
        %dma_start3A_55 = tpu.memref_slice %arg2[%max3A_51, %select_n3A_42, %dma_start3A_54] : memref<26x16x100000xf32, #tpu.memory_space<hbm>> -> memref<1x1x100000xf32, #tpu.memory_space<hbm>>
        %dma_start3A_56 = tpu.memref_squeeze %dma_start3A_55 : memref<1x1x100000xf32, #tpu.memory_space<hbm>> -> memref<100000xf32, #tpu.memory_space<hbm>>
        tpu.enqueue_dma source(%dma_start3A_56 : memref<100000xf32, #tpu.memory_space<hbm>>) target(%arg7 : memref<100000xf32, #tpu.memory_space<vmem>>) target_semaphore(%arg13 : memref<!tpu.dma_semaphore, #tpu.memory_space<semaphore_mem>>)
        %dma_start3A_57 = arith.constant 0 : i32
        %dma_start3A_58 = tpu.memref_slice %arg3[%select_n3A, %dma_start3A_57] : memref<27x16384xi32, #tpu.memory_space<hbm>> -> memref<1x4096xi32, #tpu.memory_space<hbm>>
        %dma_start3A_59 = tpu.memref_squeeze %dma_start3A_58 : memref<1x4096xi32, #tpu.memory_space<hbm>> -> memref<4096xi32, #tpu.memory_space<hbm>>
        %dma_start3A_60 = arith.constant 0 : i32
        %dma_start3A_61 = tpu.memref_slice %arg3[%select_n3A, %dma_start3A_60] : memref<27x16384xi32, #tpu.memory_space<hbm>> -> memref<1x4096xi32, #tpu.memory_space<hbm>>
        %dma_start3A_62 = tpu.memref_squeeze %dma_start3A_61 : memref<1x4096xi32, #tpu.memory_space<hbm>> -> memref<4096xi32, #tpu.memory_space<hbm>>
        tpu.enqueue_dma source(%dma_start3A_62 : memref<4096xi32, #tpu.memory_space<hbm>>) target(%arg8 : memref<4096xi32, #tpu.memory_space<vmem>>) target_semaphore(%arg14 : memref<!tpu.dma_semaphore, #tpu.memory_space<semaphore_mem>>)
        %dma_start3A_63 = arith.constant 0 : i32
        %dma_start3A_64 = tpu.memref_slice %arg4[%select_n3A, %dma_start3A_63] : memref<27x16384xf32, #tpu.memory_space<hbm>> -> memref<1x4096xf32, #tpu.memory_space<hbm>>
        %dma_start3A_65 = tpu.memref_squeeze %dma_start3A_64 : memref<1x4096xf32, #tpu.memory_space<hbm>> -> memref<4096xf32, #tpu.memory_space<hbm>>
        %dma_start3A_66 = arith.constant 0 : i32
        %dma_start3A_67 = tpu.memref_slice %arg4[%select_n3A, %dma_start3A_66] : memref<27x16384xf32, #tpu.memory_space<hbm>> -> memref<1x4096xf32, #tpu.memory_space<hbm>>
        %dma_start3A_68 = tpu.memref_squeeze %dma_start3A_67 : memref<1x4096xf32, #tpu.memory_space<hbm>> -> memref<4096xf32, #tpu.memory_space<hbm>>
        tpu.enqueue_dma source(%dma_start3A_68 : memref<4096xf32, #tpu.memory_space<hbm>>) target(%arg10 : memref<4096xf32, #tpu.memory_space<vmem>>) target_semaphore(%arg14 : memref<!tpu.dma_semaphore, #tpu.memory_space<semaphore_mem>>)
        %dma_wait3A = arith.constant 0 : i32
        %dma_wait3A_69 = tpu.memref_slice %arg2[%max3A_51, %select_n3A_42, %dma_wait3A] : memref<26x16x100000xf32, #tpu.memory_space<hbm>> -> memref<1x1x100000xf32, #tpu.memory_space<hbm>>
        %dma_wait3A_70 = tpu.memref_squeeze %dma_wait3A_69 : memref<1x1x100000xf32, #tpu.memory_space<hbm>> -> memref<100000xf32, #tpu.memory_space<hbm>>
        %dma_wait3A_71 = arith.constant 0 : i32
        %dma_wait3A_72 = tpu.memref_slice %arg2[%max3A_51, %select_n3A_42, %dma_wait3A_71] : memref<26x16x100000xf32, #tpu.memory_space<hbm>> -> memref<1x1x100000xf32, #tpu.memory_space<hbm>>
        %dma_wait3A_73 = tpu.memref_squeeze %dma_wait3A_72 : memref<1x1x100000xf32, #tpu.memory_space<hbm>> -> memref<100000xf32, #tpu.memory_space<hbm>>
        tpu.wait_dma2 semaphore(%arg13 : memref<!tpu.dma_semaphore, #tpu.memory_space<semaphore_mem>>) src(%dma_wait3A_73 : memref<100000xf32, #tpu.memory_space<hbm>>) dst(%arg7 : memref<100000xf32, #tpu.memory_space<vmem>>)
        %dma_wait3A_74 = arith.constant 0 : i32
        %dma_wait3A_75 = tpu.memref_slice %arg3[%select_n3A, %dma_wait3A_74] : memref<27x16384xi32, #tpu.memory_space<hbm>> -> memref<1x4096xi32, #tpu.memory_space<hbm>>
        %dma_wait3A_76 = tpu.memref_squeeze %dma_wait3A_75 : memref<1x4096xi32, #tpu.memory_space<hbm>> -> memref<4096xi32, #tpu.memory_space<hbm>>
        %dma_wait3A_77 = arith.constant 0 : i32
        %dma_wait3A_78 = tpu.memref_slice %arg3[%select_n3A, %dma_wait3A_77] : memref<27x16384xi32, #tpu.memory_space<hbm>> -> memref<1x4096xi32, #tpu.memory_space<hbm>>
        %dma_wait3A_79 = tpu.memref_squeeze %dma_wait3A_78 : memref<1x4096xi32, #tpu.memory_space<hbm>> -> memref<4096xi32, #tpu.memory_space<hbm>>
        tpu.wait_dma2 semaphore(%arg14 : memref<!tpu.dma_semaphore, #tpu.memory_space<semaphore_mem>>) src(%dma_wait3A_79 : memref<4096xi32, #tpu.memory_space<hbm>>) dst(%arg8 : memref<4096xi32, #tpu.memory_space<vmem>>)
        %dma_wait3A_80 = arith.constant 0 : i32
        %dma_wait3A_81 = tpu.memref_slice %arg4[%select_n3A, %dma_wait3A_80] : memref<27x16384xf32, #tpu.memory_space<hbm>> -> memref<1x4096xf32, #tpu.memory_space<hbm>>
        %dma_wait3A_82 = tpu.memref_squeeze %dma_wait3A_81 : memref<1x4096xf32, #tpu.memory_space<hbm>> -> memref<4096xf32, #tpu.memory_space<hbm>>
        %dma_wait3A_83 = arith.constant 0 : i32
        %dma_wait3A_84 = tpu.memref_slice %arg4[%select_n3A, %dma_wait3A_83] : memref<27x16384xf32, #tpu.memory_space<hbm>> -> memref<1x4096xf32, #tpu.memory_space<hbm>>
        %dma_wait3A_85 = tpu.memref_squeeze %dma_wait3A_84 : memref<1x4096xf32, #tpu.memory_space<hbm>> -> memref<4096xf32, #tpu.memory_space<hbm>>
        tpu.wait_dma2 semaphore(%arg14 : memref<!tpu.dma_semaphore, #tpu.memory_space<semaphore_mem>>) src(%dma_wait3A_85 : memref<4096xf32, #tpu.memory_space<hbm>>) dst(%arg10 : memref<4096xf32, #tpu.memory_space<vmem>>)
        %eq3A_86 = arith.constant 0 : i32
        %eq3A_87 = arith.cmpi eq, %select_n3A, %eq3A_86 : i32
        %convert_element_type3A_88 = arith.extui %eq3A_87 : i1 to i32
        %cond3A_89 = arith.constant 0 : i32
        %cond3A_90 = arith.cmpi ne, %convert_element_type3A_88, %cond3A_89 : i32
        scf.if %cond3A_90 {
          %parallel_loop3A = arith.constant 0 : i32
          %parallel_loop3A_245 = arith.constant 4096 : i32
          %parallel_loop3A_246 = arith.constant 16 : i32
          scf.for %parallel_loop3A_247 = %parallel_loop3A to %parallel_loop3A_245 step %parallel_loop3A_246  : i32 {
            %parallel_loop3A_248 = arith.index_cast %parallel_loop3A_247 : i32 to index
            %parallel_loop3A_249 = tpu.vector_load %arg8[%parallel_loop3A_248] {strides = array<i32>} : memref<4096xi32, #tpu.memory_space<vmem>>, vector<16xi32>,
            %parallel_loop3A_250 = vector.bitcast %parallel_loop3A_249 : vector<16xi32> to vector<16xf32>
            %parallel_loop3A_251 = arith.mulf %parallel_loop3A_250, %gather3A : vector<16xf32>
            %parallel_loop3A_252 = arith.addf %parallel_loop3A_251, %gather3A_48 : vector<16xf32>
            %parallel_loop3A_253 = arith.index_cast %parallel_loop3A_247 : i32 to index
            %parallel_loop3A_254 = tpu.vector_load %arg10[%parallel_loop3A_253] {strides = array<i32>} : memref<4096xf32, #tpu.memory_space<vmem>>, vector<16xf32>,
            %parallel_loop3A_255 = arith.mulf %parallel_loop3A_252, %parallel_loop3A_254 : vector<16xf32>
            %parallel_loop3A_256 = arith.index_cast %parallel_loop3A_247 : i32 to index
            %parallel_loop3A_257 = tpu.vector_load %arg10[%parallel_loop3A_256] {strides = array<i32>} : memref<4096xf32, #tpu.memory_space<vmem>>, vector<16xf32>,
            tpu.vector_store %arg10[%parallel_loop3A_256], %parallel_loop3A_255 {strides = array<i32>} : memref<4096xf32, #tpu.memory_space<vmem>>, vector<16xf32>,
          } {sc.loop_unroll_factor = 1 : i64, sc.parallel_access}
        } else {
        }
        %gt3A = arith.constant 0 : i32
        %gt3A_91 = arith.cmpi sgt, %select_n3A, %gt3A : i32
        %convert_element_type3A_92 = arith.extui %gt3A_91 : i1 to i32
        %cond3A_93 = arith.constant 0 : i32
        %cond3A_94 = arith.cmpi ne, %convert_element_type3A_92, %cond3A_93 : i32
        scf.if %cond3A_94 {
          %parallel_loop3A = arith.constant 0 : i32
          %parallel_loop3A_245 = arith.constant 4096 : i32
          %parallel_loop3A_246 = arith.constant 16 : i32
          scf.for %parallel_loop3A_247 = %parallel_loop3A to %parallel_loop3A_245 step %parallel_loop3A_246  : i32 {
            %parallel_loop3A_248 = arith.index_cast %parallel_loop3A_247 : i32 to index
            %parallel_loop3A_249 = tpu.vector_load %arg8[%parallel_loop3A_248] {strides = array<i32>} : memref<4096xi32, #tpu.memory_space<vmem>>, vector<16xi32>,
            %parallel_loop3A_250 = tpu.vector_load_idx %arg7[%parallel_loop3A_249] : memref<100000xf32, #tpu.memory_space<vmem>>[vector<16xi32>], vector<16xf32>,
            %parallel_loop3A_251 = arith.index_cast %parallel_loop3A_247 : i32 to index
            %parallel_loop3A_252 = tpu.vector_load %arg10[%parallel_loop3A_251] {strides = array<i32>} : memref<4096xf32, #tpu.memory_space<vmem>>, vector<16xf32>,
            %parallel_loop3A_253 = arith.mulf %parallel_loop3A_250, %parallel_loop3A_252 : vector<16xf32>
            %parallel_loop3A_254 = arith.index_cast %parallel_loop3A_247 : i32 to index
            %parallel_loop3A_255 = tpu.vector_load %arg10[%parallel_loop3A_254] {strides = array<i32>} : memref<4096xf32, #tpu.memory_space<vmem>>, vector<16xf32>,
            tpu.vector_store %arg10[%parallel_loop3A_254], %parallel_loop3A_253 {strides = array<i32>} : memref<4096xf32, #tpu.memory_space<vmem>>, vector<16xf32>,
          } {sc.loop_unroll_factor = 1 : i64, sc.parallel_access}
        } else {
        }
        %dma_start3A_95 = arith.constant 0 : i32
        %dma_start3A_96 = tpu.memref_slice %arg6[%add3A_9, %dma_start3A_95] : memref<432x16384xf32, #tpu.memory_space<hbm>> -> memref<1x4096xf32, #tpu.memory_space<hbm>>
        %dma_start3A_97 = tpu.memref_squeeze %dma_start3A_96 : memref<1x4096xf32, #tpu.memory_space<hbm>> -> memref<4096xf32, #tpu.memory_space<hbm>>
        %dma_start3A_98 = arith.constant 0 : i32
        %dma_start3A_99 = tpu.memref_slice %arg6[%add3A_9, %dma_start3A_98] : memref<432x16384xf32, #tpu.memory_space<hbm>> -> memref<1x4096xf32, #tpu.memory_space<hbm>>
        %dma_start3A_100 = tpu.memref_squeeze %dma_start3A_99 : memref<1x4096xf32, #tpu.memory_space<hbm>> -> memref<4096xf32, #tpu.memory_space<hbm>>
        tpu.enqueue_dma source(%arg10 : memref<4096xf32, #tpu.memory_space<vmem>>) target(%dma_start3A_100 : memref<4096xf32, #tpu.memory_space<hbm>>) target_semaphore(%arg15 : memref<!tpu.dma_semaphore, #tpu.memory_space<semaphore_mem>>)
        %dma_start3A_101 = arith.constant 4096 : i32
        %dma_start3A_102 = tpu.memref_slice %arg3[%select_n3A, %dma_start3A_101] : memref<27x16384xi32, #tpu.memory_space<hbm>> -> memref<1x4096xi32, #tpu.memory_space<hbm>>
        %dma_start3A_103 = tpu.memref_squeeze %dma_start3A_102 : memref<1x4096xi32, #tpu.memory_space<hbm>> -> memref<4096xi32, #tpu.memory_space<hbm>>
        %dma_start3A_104 = arith.constant 4096 : i32
        %dma_start3A_105 = tpu.memref_slice %arg3[%select_n3A, %dma_start3A_104] : memref<27x16384xi32, #tpu.memory_space<hbm>> -> memref<1x4096xi32, #tpu.memory_space<hbm>>
        %dma_start3A_106 = tpu.memref_squeeze %dma_start3A_105 : memref<1x4096xi32, #tpu.memory_space<hbm>> -> memref<4096xi32, #tpu.memory_space<hbm>>
        tpu.enqueue_dma source(%dma_start3A_106 : memref<4096xi32, #tpu.memory_space<hbm>>) target(%arg9 : memref<4096xi32, #tpu.memory_space<vmem>>) target_semaphore(%arg14 : memref<!tpu.dma_semaphore, #tpu.memory_space<semaphore_mem>>)
        %dma_start3A_107 = arith.constant 4096 : i32
        %dma_start3A_108 = tpu.memref_slice %arg4[%select_n3A, %dma_start3A_107] : memref<27x16384xf32, #tpu.memory_space<hbm>> -> memref<1x4096xf32, #tpu.memory_space<hbm>>
        %dma_start3A_109 = tpu.memref_squeeze %dma_start3A_108 : memref<1x4096xf32, #tpu.memory_space<hbm>> -> memref<4096xf32, #tpu.memory_space<hbm>>
        %dma_start3A_110 = arith.constant 4096 : i32
        %dma_start3A_111 = tpu.memref_slice %arg4[%select_n3A, %dma_start3A_110] : memref<27x16384xf32, #tpu.memory_space<hbm>> -> memref<1x4096xf32, #tpu.memory_space<hbm>>
        %dma_start3A_112 = tpu.memref_squeeze %dma_start3A_111 : memref<1x4096xf32, #tpu.memory_space<hbm>> -> memref<4096xf32, #tpu.memory_space<hbm>>
        tpu.enqueue_dma source(%dma_start3A_112 : memref<4096xf32, #tpu.memory_space<hbm>>) target(%arg11 : memref<4096xf32, #tpu.memory_space<vmem>>) target_semaphore(%arg14 : memref<!tpu.dma_semaphore, #tpu.memory_space<semaphore_mem>>)
        %dma_wait3A_113 = arith.constant 4096 : i32
        %dma_wait3A_114 = tpu.memref_slice %arg3[%select_n3A, %dma_wait3A_113] : memref<27x16384xi32, #tpu.memory_space<hbm>> -> memref<1x4096xi32, #tpu.memory_space<hbm>>
        %dma_wait3A_115 = tpu.memref_squeeze %dma_wait3A_114 : memref<1x4096xi32, #tpu.memory_space<hbm>> -> memref<4096xi32, #tpu.memory_space<hbm>>
        %dma_wait3A_116 = arith.constant 4096 : i32
        %dma_wait3A_117 = tpu.memref_slice %arg3[%select_n3A, %dma_wait3A_116] : memref<27x16384xi32, #tpu.memory_space<hbm>> -> memref<1x4096xi32, #tpu.memory_space<hbm>>
        %dma_wait3A_118 = tpu.memref_squeeze %dma_wait3A_117 : memref<1x4096xi32, #tpu.memory_space<hbm>> -> memref<4096xi32, #tpu.memory_space<hbm>>
        tpu.wait_dma2 semaphore(%arg14 : memref<!tpu.dma_semaphore, #tpu.memory_space<semaphore_mem>>) src(%dma_wait3A_118 : memref<4096xi32, #tpu.memory_space<hbm>>) dst(%arg9 : memref<4096xi32, #tpu.memory_space<vmem>>)
        %dma_wait3A_119 = arith.constant 4096 : i32
        %dma_wait3A_120 = tpu.memref_slice %arg4[%select_n3A, %dma_wait3A_119] : memref<27x16384xf32, #tpu.memory_space<hbm>> -> memref<1x4096xf32, #tpu.memory_space<hbm>>
        %dma_wait3A_121 = tpu.memref_squeeze %dma_wait3A_120 : memref<1x4096xf32, #tpu.memory_space<hbm>> -> memref<4096xf32, #tpu.memory_space<hbm>>
        %dma_wait3A_122 = arith.constant 4096 : i32
        %dma_wait3A_123 = tpu.memref_slice %arg4[%select_n3A, %dma_wait3A_122] : memref<27x16384xf32, #tpu.memory_space<hbm>> -> memref<1x4096xf32, #tpu.memory_space<hbm>>
        %dma_wait3A_124 = tpu.memref_squeeze %dma_wait3A_123 : memref<1x4096xf32, #tpu.memory_space<hbm>> -> memref<4096xf32, #tpu.memory_space<hbm>>
        tpu.wait_dma2 semaphore(%arg14 : memref<!tpu.dma_semaphore, #tpu.memory_space<semaphore_mem>>) src(%dma_wait3A_124 : memref<4096xf32, #tpu.memory_space<hbm>>) dst(%arg11 : memref<4096xf32, #tpu.memory_space<vmem>>)
        %eq3A_125 = arith.constant 0 : i32
        %eq3A_126 = arith.cmpi eq, %select_n3A, %eq3A_125 : i32
        %convert_element_type3A_127 = arith.extui %eq3A_126 : i1 to i32
        %cond3A_128 = arith.constant 0 : i32
        %cond3A_129 = arith.cmpi ne, %convert_element_type3A_127, %cond3A_128 : i32
        scf.if %cond3A_129 {
          %parallel_loop3A = arith.constant 0 : i32
          %parallel_loop3A_245 = arith.constant 4096 : i32
          %parallel_loop3A_246 = arith.constant 16 : i32
          scf.for %parallel_loop3A_247 = %parallel_loop3A to %parallel_loop3A_245 step %parallel_loop3A_246  : i32 {
            %parallel_loop3A_248 = arith.index_cast %parallel_loop3A_247 : i32 to index
            %parallel_loop3A_249 = tpu.vector_load %arg9[%parallel_loop3A_248] {strides = array<i32>} : memref<4096xi32, #tpu.memory_space<vmem>>, vector<16xi32>,
            %parallel_loop3A_250 = vector.bitcast %parallel_loop3A_249 : vector<16xi32> to vector<16xf32>
            %parallel_loop3A_251 = arith.mulf %parallel_loop3A_250, %gather3A : vector<16xf32>
            %parallel_loop3A_252 = arith.addf %parallel_loop3A_251, %gather3A_48 : vector<16xf32>
            %parallel_loop3A_253 = arith.index_cast %parallel_loop3A_247 : i32 to index
            %parallel_loop3A_254 = tpu.vector_load %arg11[%parallel_loop3A_253] {strides = array<i32>} : memref<4096xf32, #tpu.memory_space<vmem>>, vector<16xf32>,
            %parallel_loop3A_255 = arith.mulf %parallel_loop3A_252, %parallel_loop3A_254 : vector<16xf32>
            %parallel_loop3A_256 = arith.index_cast %parallel_loop3A_247 : i32 to index
            %parallel_loop3A_257 = tpu.vector_load %arg11[%parallel_loop3A_256] {strides = array<i32>} : memref<4096xf32, #tpu.memory_space<vmem>>, vector<16xf32>,
            tpu.vector_store %arg11[%parallel_loop3A_256], %parallel_loop3A_255 {strides = array<i32>} : memref<4096xf32, #tpu.memory_space<vmem>>, vector<16xf32>,
          } {sc.loop_unroll_factor = 1 : i64, sc.parallel_access}
        } else {
        }
        %gt3A_130 = arith.constant 0 : i32
        %gt3A_131 = arith.cmpi sgt, %select_n3A, %gt3A_130 : i32
        %convert_element_type3A_132 = arith.extui %gt3A_131 : i1 to i32
        %cond3A_133 = arith.constant 0 : i32
        %cond3A_134 = arith.cmpi ne, %convert_element_type3A_132, %cond3A_133 : i32
        scf.if %cond3A_134 {
          %parallel_loop3A = arith.constant 0 : i32
          %parallel_loop3A_245 = arith.constant 4096 : i32
          %parallel_loop3A_246 = arith.constant 16 : i32
          scf.for %parallel_loop3A_247 = %parallel_loop3A to %parallel_loop3A_245 step %parallel_loop3A_246  : i32 {
            %parallel_loop3A_248 = arith.index_cast %parallel_loop3A_247 : i32 to index
            %parallel_loop3A_249 = tpu.vector_load %arg9[%parallel_loop3A_248] {strides = array<i32>} : memref<4096xi32, #tpu.memory_space<vmem>>, vector<16xi32>,
            %parallel_loop3A_250 = tpu.vector_load_idx %arg7[%parallel_loop3A_249] : memref<100000xf32, #tpu.memory_space<vmem>>[vector<16xi32>], vector<16xf32>,
            %parallel_loop3A_251 = arith.index_cast %parallel_loop3A_247 : i32 to index
            %parallel_loop3A_252 = tpu.vector_load %arg11[%parallel_loop3A_251] {strides = array<i32>} : memref<4096xf32, #tpu.memory_space<vmem>>, vector<16xf32>,
            %parallel_loop3A_253 = arith.mulf %parallel_loop3A_250, %parallel_loop3A_252 : vector<16xf32>
            %parallel_loop3A_254 = arith.index_cast %parallel_loop3A_247 : i32 to index
            %parallel_loop3A_255 = tpu.vector_load %arg11[%parallel_loop3A_254] {strides = array<i32>} : memref<4096xf32, #tpu.memory_space<vmem>>, vector<16xf32>,
            tpu.vector_store %arg11[%parallel_loop3A_254], %parallel_loop3A_253 {strides = array<i32>} : memref<4096xf32, #tpu.memory_space<vmem>>, vector<16xf32>,
          } {sc.loop_unroll_factor = 1 : i64, sc.parallel_access}
        } else {
        }
        %dma_start3A_135 = arith.constant 4096 : i32
        %dma_start3A_136 = tpu.memref_slice %arg6[%add3A_9, %dma_start3A_135] : memref<432x16384xf32, #tpu.memory_space<hbm>> -> memref<1x4096xf32, #tpu.memory_space<hbm>>
        %dma_start3A_137 = tpu.memref_squeeze %dma_start3A_136 : memref<1x4096xf32, #tpu.memory_space<hbm>> -> memref<4096xf32, #tpu.memory_space<hbm>>
        %dma_start3A_138 = arith.constant 4096 : i32
        %dma_start3A_139 = tpu.memref_slice %arg6[%add3A_9, %dma_start3A_138] : memref<432x16384xf32, #tpu.memory_space<hbm>> -> memref<1x4096xf32, #tpu.memory_space<hbm>>
        %dma_start3A_140 = tpu.memref_squeeze %dma_start3A_139 : memref<1x4096xf32, #tpu.memory_space<hbm>> -> memref<4096xf32, #tpu.memory_space<hbm>>
        tpu.enqueue_dma source(%arg11 : memref<4096xf32, #tpu.memory_space<vmem>>) target(%dma_start3A_140 : memref<4096xf32, #tpu.memory_space<hbm>>) target_semaphore(%arg15 : memref<!tpu.dma_semaphore, #tpu.memory_space<semaphore_mem>>)
        %dma_wait3A_141 = arith.constant 0 : i32
        %dma_wait3A_142 = tpu.memref_slice %arg6[%add3A_9, %dma_wait3A_141] : memref<432x16384xf32, #tpu.memory_space<hbm>> -> memref<1x4096xf32, #tpu.memory_space<hbm>>
        %dma_wait3A_143 = tpu.memref_squeeze %dma_wait3A_142 : memref<1x4096xf32, #tpu.memory_space<hbm>> -> memref<4096xf32, #tpu.memory_space<hbm>>
        %dma_wait3A_144 = arith.constant 0 : i32
        %dma_wait3A_145 = tpu.memref_slice %arg6[%add3A_9, %dma_wait3A_144] : memref<432x16384xf32, #tpu.memory_space<hbm>> -> memref<1x4096xf32, #tpu.memory_space<hbm>>
        %dma_wait3A_146 = tpu.memref_squeeze %dma_wait3A_145 : memref<1x4096xf32, #tpu.memory_space<hbm>> -> memref<4096xf32, #tpu.memory_space<hbm>>
        tpu.wait_dma2 semaphore(%arg15 : memref<!tpu.dma_semaphore, #tpu.memory_space<semaphore_mem>>) src(%arg10 : memref<4096xf32, #tpu.memory_space<vmem>>) dst(%dma_wait3A_146 : memref<4096xf32, #tpu.memory_space<hbm>>)
        %dma_start3A_147 = arith.constant 8192 : i32
        %dma_start3A_148 = tpu.memref_slice %arg3[%select_n3A, %dma_start3A_147] : memref<27x16384xi32, #tpu.memory_space<hbm>> -> memref<1x4096xi32, #tpu.memory_space<hbm>>
        %dma_start3A_149 = tpu.memref_squeeze %dma_start3A_148 : memref<1x4096xi32, #tpu.memory_space<hbm>> -> memref<4096xi32, #tpu.memory_space<hbm>>
        %dma_start3A_150 = arith.constant 8192 : i32
        %dma_start3A_151 = tpu.memref_slice %arg3[%select_n3A, %dma_start3A_150] : memref<27x16384xi32, #tpu.memory_space<hbm>> -> memref<1x4096xi32, #tpu.memory_space<hbm>>
        %dma_start3A_152 = tpu.memref_squeeze %dma_start3A_151 : memref<1x4096xi32, #tpu.memory_space<hbm>> -> memref<4096xi32, #tpu.memory_space<hbm>>
        tpu.enqueue_dma source(%dma_start3A_152 : memref<4096xi32, #tpu.memory_space<hbm>>) target(%arg8 : memref<4096xi32, #tpu.memory_space<vmem>>) target_semaphore(%arg14 : memref<!tpu.dma_semaphore, #tpu.memory_space<semaphore_mem>>)
        %dma_start3A_153 = arith.constant 8192 : i32
        %dma_start3A_154 = tpu.memref_slice %arg4[%select_n3A, %dma_start3A_153] : memref<27x16384xf32, #tpu.memory_space<hbm>> -> memref<1x4096xf32, #tpu.memory_space<hbm>>
        %dma_start3A_155 = tpu.memref_squeeze %dma_start3A_154 : memref<1x4096xf32, #tpu.memory_space<hbm>> -> memref<4096xf32, #tpu.memory_space<hbm>>
        %dma_start3A_156 = arith.constant 8192 : i32
        %dma_start3A_157 = tpu.memref_slice %arg4[%select_n3A, %dma_start3A_156] : memref<27x16384xf32, #tpu.memory_space<hbm>> -> memref<1x4096xf32, #tpu.memory_space<hbm>>
        %dma_start3A_158 = tpu.memref_squeeze %dma_start3A_157 : memref<1x4096xf32, #tpu.memory_space<hbm>> -> memref<4096xf32, #tpu.memory_space<hbm>>
        tpu.enqueue_dma source(%dma_start3A_158 : memref<4096xf32, #tpu.memory_space<hbm>>) target(%arg10 : memref<4096xf32, #tpu.memory_space<vmem>>) target_semaphore(%arg14 : memref<!tpu.dma_semaphore, #tpu.memory_space<semaphore_mem>>)
        %dma_wait3A_159 = arith.constant 8192 : i32
        %dma_wait3A_160 = tpu.memref_slice %arg3[%select_n3A, %dma_wait3A_159] : memref<27x16384xi32, #tpu.memory_space<hbm>> -> memref<1x4096xi32, #tpu.memory_space<hbm>>
        %dma_wait3A_161 = tpu.memref_squeeze %dma_wait3A_160 : memref<1x4096xi32, #tpu.memory_space<hbm>> -> memref<4096xi32, #tpu.memory_space<hbm>>
        %dma_wait3A_162 = arith.constant 8192 : i32
        %dma_wait3A_163 = tpu.memref_slice %arg3[%select_n3A, %dma_wait3A_162] : memref<27x16384xi32, #tpu.memory_space<hbm>> -> memref<1x4096xi32, #tpu.memory_space<hbm>>
        %dma_wait3A_164 = tpu.memref_squeeze %dma_wait3A_163 : memref<1x4096xi32, #tpu.memory_space<hbm>> -> memref<4096xi32, #tpu.memory_space<hbm>>
        tpu.wait_dma2 semaphore(%arg14 : memref<!tpu.dma_semaphore, #tpu.memory_space<semaphore_mem>>) src(%dma_wait3A_164 : memref<4096xi32, #tpu.memory_space<hbm>>) dst(%arg8 : memref<4096xi32, #tpu.memory_space<vmem>>)
        %dma_wait3A_165 = arith.constant 8192 : i32
        %dma_wait3A_166 = tpu.memref_slice %arg4[%select_n3A, %dma_wait3A_165] : memref<27x16384xf32, #tpu.memory_space<hbm>> -> memref<1x4096xf32, #tpu.memory_space<hbm>>
        %dma_wait3A_167 = tpu.memref_squeeze %dma_wait3A_166 : memref<1x4096xf32, #tpu.memory_space<hbm>> -> memref<4096xf32, #tpu.memory_space<hbm>>
        %dma_wait3A_168 = arith.constant 8192 : i32
        %dma_wait3A_169 = tpu.memref_slice %arg4[%select_n3A, %dma_wait3A_168] : memref<27x16384xf32, #tpu.memory_space<hbm>> -> memref<1x4096xf32, #tpu.memory_space<hbm>>
        %dma_wait3A_170 = tpu.memref_squeeze %dma_wait3A_169 : memref<1x4096xf32, #tpu.memory_space<hbm>> -> memref<4096xf32, #tpu.memory_space<hbm>>
        tpu.wait_dma2 semaphore(%arg14 : memref<!tpu.dma_semaphore, #tpu.memory_space<semaphore_mem>>) src(%dma_wait3A_170 : memref<4096xf32, #tpu.memory_space<hbm>>) dst(%arg10 : memref<4096xf32, #tpu.memory_space<vmem>>)
        %eq3A_171 = arith.constant 0 : i32
        %eq3A_172 = arith.cmpi eq, %select_n3A, %eq3A_171 : i32
        %convert_element_type3A_173 = arith.extui %eq3A_172 : i1 to i32
        %cond3A_174 = arith.constant 0 : i32
        %cond3A_175 = arith.cmpi ne, %convert_element_type3A_173, %cond3A_174 : i32
        scf.if %cond3A_175 {
          %parallel_loop3A = arith.constant 0 : i32
          %parallel_loop3A_245 = arith.constant 4096 : i32
          %parallel_loop3A_246 = arith.constant 16 : i32
          scf.for %parallel_loop3A_247 = %parallel_loop3A to %parallel_loop3A_245 step %parallel_loop3A_246  : i32 {
            %parallel_loop3A_248 = arith.index_cast %parallel_loop3A_247 : i32 to index
            %parallel_loop3A_249 = tpu.vector_load %arg8[%parallel_loop3A_248] {strides = array<i32>} : memref<4096xi32, #tpu.memory_space<vmem>>, vector<16xi32>,
            %parallel_loop3A_250 = vector.bitcast %parallel_loop3A_249 : vector<16xi32> to vector<16xf32>
            %parallel_loop3A_251 = arith.mulf %parallel_loop3A_250, %gather3A : vector<16xf32>
            %parallel_loop3A_252 = arith.addf %parallel_loop3A_251, %gather3A_48 : vector<16xf32>
            %parallel_loop3A_253 = arith.index_cast %parallel_loop3A_247 : i32 to index
            %parallel_loop3A_254 = tpu.vector_load %arg10[%parallel_loop3A_253] {strides = array<i32>} : memref<4096xf32, #tpu.memory_space<vmem>>, vector<16xf32>,
            %parallel_loop3A_255 = arith.mulf %parallel_loop3A_252, %parallel_loop3A_254 : vector<16xf32>
            %parallel_loop3A_256 = arith.index_cast %parallel_loop3A_247 : i32 to index
            %parallel_loop3A_257 = tpu.vector_load %arg10[%parallel_loop3A_256] {strides = array<i32>} : memref<4096xf32, #tpu.memory_space<vmem>>, vector<16xf32>,
            tpu.vector_store %arg10[%parallel_loop3A_256], %parallel_loop3A_255 {strides = array<i32>} : memref<4096xf32, #tpu.memory_space<vmem>>, vector<16xf32>,
          } {sc.loop_unroll_factor = 1 : i64, sc.parallel_access}
        } else {
        }
        %gt3A_176 = arith.constant 0 : i32
        %gt3A_177 = arith.cmpi sgt, %select_n3A, %gt3A_176 : i32
        %convert_element_type3A_178 = arith.extui %gt3A_177 : i1 to i32
        %cond3A_179 = arith.constant 0 : i32
        %cond3A_180 = arith.cmpi ne, %convert_element_type3A_178, %cond3A_179 : i32
        scf.if %cond3A_180 {
          %parallel_loop3A = arith.constant 0 : i32
          %parallel_loop3A_245 = arith.constant 4096 : i32
          %parallel_loop3A_246 = arith.constant 16 : i32
          scf.for %parallel_loop3A_247 = %parallel_loop3A to %parallel_loop3A_245 step %parallel_loop3A_246  : i32 {
            %parallel_loop3A_248 = arith.index_cast %parallel_loop3A_247 : i32 to index
            %parallel_loop3A_249 = tpu.vector_load %arg8[%parallel_loop3A_248] {strides = array<i32>} : memref<4096xi32, #tpu.memory_space<vmem>>, vector<16xi32>,
            %parallel_loop3A_250 = tpu.vector_load_idx %arg7[%parallel_loop3A_249] : memref<100000xf32, #tpu.memory_space<vmem>>[vector<16xi32>], vector<16xf32>,
            %parallel_loop3A_251 = arith.index_cast %parallel_loop3A_247 : i32 to index
            %parallel_loop3A_252 = tpu.vector_load %arg10[%parallel_loop3A_251] {strides = array<i32>} : memref<4096xf32, #tpu.memory_space<vmem>>, vector<16xf32>,
            %parallel_loop3A_253 = arith.mulf %parallel_loop3A_250, %parallel_loop3A_252 : vector<16xf32>
            %parallel_loop3A_254 = arith.index_cast %parallel_loop3A_247 : i32 to index
            %parallel_loop3A_255 = tpu.vector_load %arg10[%parallel_loop3A_254] {strides = array<i32>} : memref<4096xf32, #tpu.memory_space<vmem>>, vector<16xf32>,
            tpu.vector_store %arg10[%parallel_loop3A_254], %parallel_loop3A_253 {strides = array<i32>} : memref<4096xf32, #tpu.memory_space<vmem>>, vector<16xf32>,
          } {sc.loop_unroll_factor = 1 : i64, sc.parallel_access}
        } else {
        }
        %dma_start3A_181 = arith.constant 8192 : i32
        %dma_start3A_182 = tpu.memref_slice %arg6[%add3A_9, %dma_start3A_181] : memref<432x16384xf32, #tpu.memory_space<hbm>> -> memref<1x4096xf32, #tpu.memory_space<hbm>>
        %dma_start3A_183 = tpu.memref_squeeze %dma_start3A_182 : memref<1x4096xf32, #tpu.memory_space<hbm>> -> memref<4096xf32, #tpu.memory_space<hbm>>
        %dma_start3A_184 = arith.constant 8192 : i32
        %dma_start3A_185 = tpu.memref_slice %arg6[%add3A_9, %dma_start3A_184] : memref<432x16384xf32, #tpu.memory_space<hbm>> -> memref<1x4096xf32, #tpu.memory_space<hbm>>
        %dma_start3A_186 = tpu.memref_squeeze %dma_start3A_185 : memref<1x4096xf32, #tpu.memory_space<hbm>> -> memref<4096xf32, #tpu.memory_space<hbm>>
        tpu.enqueue_dma source(%arg10 : memref<4096xf32, #tpu.memory_space<vmem>>) target(%dma_start3A_186 : memref<4096xf32, #tpu.memory_space<hbm>>) target_semaphore(%arg15 : memref<!tpu.dma_semaphore, #tpu.memory_space<semaphore_mem>>)
        %dma_wait3A_187 = arith.constant 4096 : i32
        %dma_wait3A_188 = tpu.memref_slice %arg6[%add3A_9, %dma_wait3A_187] : memref<432x16384xf32, #tpu.memory_space<hbm>> -> memref<1x4096xf32, #tpu.memory_space<hbm>>
        %dma_wait3A_189 = tpu.memref_squeeze %dma_wait3A_188 : memref<1x4096xf32, #tpu.memory_space<hbm>> -> memref<4096xf32, #tpu.memory_space<hbm>>
        %dma_wait3A_190 = arith.constant 4096 : i32
        %dma_wait3A_191 = tpu.memref_slice %arg6[%add3A_9, %dma_wait3A_190] : memref<432x16384xf32, #tpu.memory_space<hbm>> -> memref<1x4096xf32, #tpu.memory_space<hbm>>
        %dma_wait3A_192 = tpu.memref_squeeze %dma_wait3A_191 : memref<1x4096xf32, #tpu.memory_space<hbm>> -> memref<4096xf32, #tpu.memory_space<hbm>>
        tpu.wait_dma2 semaphore(%arg15 : memref<!tpu.dma_semaphore, #tpu.memory_space<semaphore_mem>>) src(%arg11 : memref<4096xf32, #tpu.memory_space<vmem>>) dst(%dma_wait3A_192 : memref<4096xf32, #tpu.memory_space<hbm>>)
        %dma_start3A_193 = arith.constant 12288 : i32
        %dma_start3A_194 = tpu.memref_slice %arg3[%select_n3A, %dma_start3A_193] : memref<27x16384xi32, #tpu.memory_space<hbm>> -> memref<1x4096xi32, #tpu.memory_space<hbm>>
        %dma_start3A_195 = tpu.memref_squeeze %dma_start3A_194 : memref<1x4096xi32, #tpu.memory_space<hbm>> -> memref<4096xi32, #tpu.memory_space<hbm>>
        %dma_start3A_196 = arith.constant 12288 : i32
        %dma_start3A_197 = tpu.memref_slice %arg3[%select_n3A, %dma_start3A_196] : memref<27x16384xi32, #tpu.memory_space<hbm>> -> memref<1x4096xi32, #tpu.memory_space<hbm>>
        %dma_start3A_198 = tpu.memref_squeeze %dma_start3A_197 : memref<1x4096xi32, #tpu.memory_space<hbm>> -> memref<4096xi32, #tpu.memory_space<hbm>>
        tpu.enqueue_dma source(%dma_start3A_198 : memref<4096xi32, #tpu.memory_space<hbm>>) target(%arg9 : memref<4096xi32, #tpu.memory_space<vmem>>) target_semaphore(%arg14 : memref<!tpu.dma_semaphore, #tpu.memory_space<semaphore_mem>>)
        %dma_start3A_199 = arith.constant 12288 : i32
        %dma_start3A_200 = tpu.memref_slice %arg4[%select_n3A, %dma_start3A_199] : memref<27x16384xf32, #tpu.memory_space<hbm>> -> memref<1x4096xf32, #tpu.memory_space<hbm>>
        %dma_start3A_201 = tpu.memref_squeeze %dma_start3A_200 : memref<1x4096xf32, #tpu.memory_space<hbm>> -> memref<4096xf32, #tpu.memory_space<hbm>>
        %dma_start3A_202 = arith.constant 12288 : i32
        %dma_start3A_203 = tpu.memref_slice %arg4[%select_n3A, %dma_start3A_202] : memref<27x16384xf32, #tpu.memory_space<hbm>> -> memref<1x4096xf32, #tpu.memory_space<hbm>>
        %dma_start3A_204 = tpu.memref_squeeze %dma_start3A_203 : memref<1x4096xf32, #tpu.memory_space<hbm>> -> memref<4096xf32, #tpu.memory_space<hbm>>
        tpu.enqueue_dma source(%dma_start3A_204 : memref<4096xf32, #tpu.memory_space<hbm>>) target(%arg11 : memref<4096xf32, #tpu.memory_space<vmem>>) target_semaphore(%arg14 : memref<!tpu.dma_semaphore, #tpu.memory_space<semaphore_mem>>)
        %dma_wait3A_205 = arith.constant 12288 : i32
        %dma_wait3A_206 = tpu.memref_slice %arg3[%select_n3A, %dma_wait3A_205] : memref<27x16384xi32, #tpu.memory_space<hbm>> -> memref<1x4096xi32, #tpu.memory_space<hbm>>
        %dma_wait3A_207 = tpu.memref_squeeze %dma_wait3A_206 : memref<1x4096xi32, #tpu.memory_space<hbm>> -> memref<4096xi32, #tpu.memory_space<hbm>>
        %dma_wait3A_208 = arith.constant 12288 : i32
        %dma_wait3A_209 = tpu.memref_slice %arg3[%select_n3A, %dma_wait3A_208] : memref<27x16384xi32, #tpu.memory_space<hbm>> -> memref<1x4096xi32, #tpu.memory_space<hbm>>
        %dma_wait3A_210 = tpu.memref_squeeze %dma_wait3A_209 : memref<1x4096xi32, #tpu.memory_space<hbm>> -> memref<4096xi32, #tpu.memory_space<hbm>>
        tpu.wait_dma2 semaphore(%arg14 : memref<!tpu.dma_semaphore, #tpu.memory_space<semaphore_mem>>) src(%dma_wait3A_210 : memref<4096xi32, #tpu.memory_space<hbm>>) dst(%arg9 : memref<4096xi32, #tpu.memory_space<vmem>>)
        %dma_wait3A_211 = arith.constant 12288 : i32
        %dma_wait3A_212 = tpu.memref_slice %arg4[%select_n3A, %dma_wait3A_211] : memref<27x16384xf32, #tpu.memory_space<hbm>> -> memref<1x4096xf32, #tpu.memory_space<hbm>>
        %dma_wait3A_213 = tpu.memref_squeeze %dma_wait3A_212 : memref<1x4096xf32, #tpu.memory_space<hbm>> -> memref<4096xf32, #tpu.memory_space<hbm>>
        %dma_wait3A_214 = arith.constant 12288 : i32
        %dma_wait3A_215 = tpu.memref_slice %arg4[%select_n3A, %dma_wait3A_214] : memref<27x16384xf32, #tpu.memory_space<hbm>> -> memref<1x4096xf32, #tpu.memory_space<hbm>>
        %dma_wait3A_216 = tpu.memref_squeeze %dma_wait3A_215 : memref<1x4096xf32, #tpu.memory_space<hbm>> -> memref<4096xf32, #tpu.memory_space<hbm>>
        tpu.wait_dma2 semaphore(%arg14 : memref<!tpu.dma_semaphore, #tpu.memory_space<semaphore_mem>>) src(%dma_wait3A_216 : memref<4096xf32, #tpu.memory_space<hbm>>) dst(%arg11 : memref<4096xf32, #tpu.memory_space<vmem>>)
        %eq3A_217 = arith.constant 0 : i32
        %eq3A_218 = arith.cmpi eq, %select_n3A, %eq3A_217 : i32
        %convert_element_type3A_219 = arith.extui %eq3A_218 : i1 to i32
        %cond3A_220 = arith.constant 0 : i32
        %cond3A_221 = arith.cmpi ne, %convert_element_type3A_219, %cond3A_220 : i32
        scf.if %cond3A_221 {
          %parallel_loop3A = arith.constant 0 : i32
          %parallel_loop3A_245 = arith.constant 4096 : i32
          %parallel_loop3A_246 = arith.constant 16 : i32
          scf.for %parallel_loop3A_247 = %parallel_loop3A to %parallel_loop3A_245 step %parallel_loop3A_246  : i32 {
            %parallel_loop3A_248 = arith.index_cast %parallel_loop3A_247 : i32 to index
            %parallel_loop3A_249 = tpu.vector_load %arg9[%parallel_loop3A_248] {strides = array<i32>} : memref<4096xi32, #tpu.memory_space<vmem>>, vector<16xi32>,
            %parallel_loop3A_250 = vector.bitcast %parallel_loop3A_249 : vector<16xi32> to vector<16xf32>
            %parallel_loop3A_251 = arith.mulf %parallel_loop3A_250, %gather3A : vector<16xf32>
            %parallel_loop3A_252 = arith.addf %parallel_loop3A_251, %gather3A_48 : vector<16xf32>
            %parallel_loop3A_253 = arith.index_cast %parallel_loop3A_247 : i32 to index
            %parallel_loop3A_254 = tpu.vector_load %arg11[%parallel_loop3A_253] {strides = array<i32>} : memref<4096xf32, #tpu.memory_space<vmem>>, vector<16xf32>,
            %parallel_loop3A_255 = arith.mulf %parallel_loop3A_252, %parallel_loop3A_254 : vector<16xf32>
            %parallel_loop3A_256 = arith.index_cast %parallel_loop3A_247 : i32 to index
            %parallel_loop3A_257 = tpu.vector_load %arg11[%parallel_loop3A_256] {strides = array<i32>} : memref<4096xf32, #tpu.memory_space<vmem>>, vector<16xf32>,
            tpu.vector_store %arg11[%parallel_loop3A_256], %parallel_loop3A_255 {strides = array<i32>} : memref<4096xf32, #tpu.memory_space<vmem>>, vector<16xf32>,
          } {sc.loop_unroll_factor = 1 : i64, sc.parallel_access}
        } else {
        }
        %gt3A_222 = arith.constant 0 : i32
        %gt3A_223 = arith.cmpi sgt, %select_n3A, %gt3A_222 : i32
        %convert_element_type3A_224 = arith.extui %gt3A_223 : i1 to i32
        %cond3A_225 = arith.constant 0 : i32
        %cond3A_226 = arith.cmpi ne, %convert_element_type3A_224, %cond3A_225 : i32
        scf.if %cond3A_226 {
          %parallel_loop3A = arith.constant 0 : i32
          %parallel_loop3A_245 = arith.constant 4096 : i32
          %parallel_loop3A_246 = arith.constant 16 : i32
          scf.for %parallel_loop3A_247 = %parallel_loop3A to %parallel_loop3A_245 step %parallel_loop3A_246  : i32 {
            %parallel_loop3A_248 = arith.index_cast %parallel_loop3A_247 : i32 to index
            %parallel_loop3A_249 = tpu.vector_load %arg9[%parallel_loop3A_248] {strides = array<i32>} : memref<4096xi32, #tpu.memory_space<vmem>>, vector<16xi32>,
            %parallel_loop3A_250 = tpu.vector_load_idx %arg7[%parallel_loop3A_249] : memref<100000xf32, #tpu.memory_space<vmem>>[vector<16xi32>], vector<16xf32>,
            %parallel_loop3A_251 = arith.index_cast %parallel_loop3A_247 : i32 to index
            %parallel_loop3A_252 = tpu.vector_load %arg11[%parallel_loop3A_251] {strides = array<i32>} : memref<4096xf32, #tpu.memory_space<vmem>>, vector<16xf32>,
            %parallel_loop3A_253 = arith.mulf %parallel_loop3A_250, %parallel_loop3A_252 : vector<16xf32>
            %parallel_loop3A_254 = arith.index_cast %parallel_loop3A_247 : i32 to index
            %parallel_loop3A_255 = tpu.vector_load %arg11[%parallel_loop3A_254] {strides = array<i32>} : memref<4096xf32, #tpu.memory_space<vmem>>, vector<16xf32>,
            tpu.vector_store %arg11[%parallel_loop3A_254], %parallel_loop3A_253 {strides = array<i32>} : memref<4096xf32, #tpu.memory_space<vmem>>, vector<16xf32>,
          } {sc.loop_unroll_factor = 1 : i64, sc.parallel_access}
        } else {
        }
        %dma_start3A_227 = arith.constant 12288 : i32
        %dma_start3A_228 = tpu.memref_slice %arg6[%add3A_9, %dma_start3A_227] : memref<432x16384xf32, #tpu.memory_space<hbm>> -> memref<1x4096xf32, #tpu.memory_space<hbm>>
        %dma_start3A_229 = tpu.memref_squeeze %dma_start3A_228 : memref<1x4096xf32, #tpu.memory_space<hbm>> -> memref<4096xf32, #tpu.memory_space<hbm>>
        %dma_start3A_230 = arith.constant 12288 : i32
        %dma_start3A_231 = tpu.memref_slice %arg6[%add3A_9, %dma_start3A_230] : memref<432x16384xf32, #tpu.memory_space<hbm>> -> memref<1x4096xf32, #tpu.memory_space<hbm>>
        %dma_start3A_232 = tpu.memref_squeeze %dma_start3A_231 : memref<1x4096xf32, #tpu.memory_space<hbm>> -> memref<4096xf32, #tpu.memory_space<hbm>>
        tpu.enqueue_dma source(%arg11 : memref<4096xf32, #tpu.memory_space<vmem>>) target(%dma_start3A_232 : memref<4096xf32, #tpu.memory_space<hbm>>) target_semaphore(%arg15 : memref<!tpu.dma_semaphore, #tpu.memory_space<semaphore_mem>>)
        %dma_wait3A_233 = arith.constant 8192 : i32
        %dma_wait3A_234 = tpu.memref_slice %arg6[%add3A_9, %dma_wait3A_233] : memref<432x16384xf32, #tpu.memory_space<hbm>> -> memref<1x4096xf32, #tpu.memory_space<hbm>>
        %dma_wait3A_235 = tpu.memref_squeeze %dma_wait3A_234 : memref<1x4096xf32, #tpu.memory_space<hbm>> -> memref<4096xf32, #tpu.memory_space<hbm>>
        %dma_wait3A_236 = arith.constant 8192 : i32
        %dma_wait3A_237 = tpu.memref_slice %arg6[%add3A_9, %dma_wait3A_236] : memref<432x16384xf32, #tpu.memory_space<hbm>> -> memref<1x4096xf32, #tpu.memory_space<hbm>>
        %dma_wait3A_238 = tpu.memref_squeeze %dma_wait3A_237 : memref<1x4096xf32, #tpu.memory_space<hbm>> -> memref<4096xf32, #tpu.memory_space<hbm>>
        tpu.wait_dma2 semaphore(%arg15 : memref<!tpu.dma_semaphore, #tpu.memory_space<semaphore_mem>>) src(%arg10 : memref<4096xf32, #tpu.memory_space<vmem>>) dst(%dma_wait3A_238 : memref<4096xf32, #tpu.memory_space<hbm>>)
        %dma_wait3A_239 = arith.constant 12288 : i32
        %dma_wait3A_240 = tpu.memref_slice %arg6[%add3A_9, %dma_wait3A_239] : memref<432x16384xf32, #tpu.memory_space<hbm>> -> memref<1x4096xf32, #tpu.memory_space<hbm>>
        %dma_wait3A_241 = tpu.memref_squeeze %dma_wait3A_240 : memref<1x4096xf32, #tpu.memory_space<hbm>> -> memref<4096xf32, #tpu.memory_space<hbm>>
        %dma_wait3A_242 = arith.constant 12288 : i32
        %dma_wait3A_243 = tpu.memref_slice %arg6[%add3A_9, %dma_wait3A_242] : memref<432x16384xf32, #tpu.memory_space<hbm>> -> memref<1x4096xf32, #tpu.memory_space<hbm>>
        %dma_wait3A_244 = tpu.memref_squeeze %dma_wait3A_243 : memref<1x4096xf32, #tpu.memory_space<hbm>> -> memref<4096xf32, #tpu.memory_space<hbm>>
        tpu.wait_dma2 semaphore(%arg15 : memref<!tpu.dma_semaphore, #tpu.memory_space<semaphore_mem>>) src(%arg11 : memref<4096xf32, #tpu.memory_space<vmem>>) dst(%dma_wait3A_244 : memref<4096xf32, #tpu.memory_space<hbm>>)
      } else {
      }
    }
    %scan3A_5 = arith.constant 14 : i32
    return
  }
}

</mosaic_0001>

<sc_bundles>
// kernel: kernel.4.cloned.1.call-start
scs
__scs_entry_jumppad:
0x0: {  	(pc) =	sbr.rel $0x88, $3  }
0x1: {  	(tag) =	ssettag $0x0;
	lr =	simm.s32 $0x1  }
0x2: {  	[smem:$0x3F99] =	sst lr;
	_ =	strace $0xD0000000  }
0x3: {  	_ = 	snop  }
0x4: {  	_ = 	snop  }
0x5: {  	_ = 	snop  }
0x6: {  	_ = 	snop  }
0x7: {  	_ = 	snop  }
__scs_overlays_trampoline_lowered:
0x8: {  	[smem:$0x3FA8] =	sst s0  }
0x9: {  	[smem:$0x3FA9] =	sst s1  }
0xa: {  	[smem:$0x3FAA] =	sst s2  }
0xb: {  	[smem:$0x3FAB] =	sst s3  }
0xc: {  	[smem:$0x3FAC] =	sst s4  }
0xd: {  	[smem:$0x3FAD] =	sst s5  }
0xe: {  	[smem:$0x3FAE] =	sst s6  }
0xf: {  	[smem:$0x3FAF] =	sst s7  }
0x10: {  	[smem:$0x3FB0] =	sst s8  }
0x11: {  	[smem:$0x3FB1] =	sst s9;
	s0 =	simm.s32 @!p0 $0x0  }
0x12: {  	s1 =	sld [smem:$0x3F97];
	s0 =	simm.s32 @p0 $0x1  }
0x13: {  	[smem:$0x3FB2] =	sst s0;
	s0 =	simm.s32 @!p1 $0x0  }
0x14: {  	s2 =	sld [smem:$0x3F96];
	s0 =	simm.s32 @p1 $0x1  }
0x15: {  	[smem:$0x3FB3] =	sst s0;
	s0 =	simm.s32 @!p2 $0x0  }
0x16: {  	s3 =	sld [smem:$0x3FDB];
	s0 =	simm.s32 @p2 $0x1  }
0x17: {  	s4 =	simm.s32 $0x1BF5;
	[smem:$0x3FB5] =	sst s0  }
0x18: {  	s0 =	sld [smem:$0x3F98];
	_ =	swait.ge [sflag:s4], $0x0  }
0x19: {  	s7 =	sld [smem:$0x3F99]  }
0x1a: {  	s8 =	sadd.s32 $0xFFFFE003, lr  }
0x1b: {  	s9 =	sadd.s32 $0xFFFFFEF7, lr;
	s5 =	simm.s32 $0xFFFFFFFF;
	p2 =	slt.u32 s8, $0xFFFFF086  }
0x1c: {  	p1 =	slt.u32 s9, $0xF7A;
	s5 =	simm.s32 @!p2 $0x0  }
0x1d: {  	s5 =	simm.s32 @p1 $0x1;
	p0 =	seq.s32 s7, s2  }
0x1e: {  	s7 =	smul.u32 @!p0 $0xF7A, s2;
	p2 =	seq.s32 @!p0 s5, $0x0  }
0x1f: {  	s9 =	smul.u32 $0xF7A, s1;
	s8 =	simm.s32 @!p0 $0x1BF5;
	p2 =	por !p2, p0  }
0x20: {  	[sflag:s8] =	ssyncset.s32 @!p0 $0xFFFFF086;
	s6 =	sadd.s32 @!p0 s3, s7;
	s7 =	simm.s32 @!p0 $0x108  }
0x21: {  	s3 =	sadd.s32 s3, s9;
	s6 =	sadd.s32 @!p0 $0x88, s6;
	s7 =	simm.s32 @p2 $0x1082  }
0x22: {  	[simem:s7], [sflag:s8] =	dma.local @!p0 [hbm:s6], $0xF7A  }
0x23: {  	s9 =	sor.u32 $0xD0000000, s2;
	s6 =	simm.s32 $0x108;
	_ =	swait.ge @!p0 [sflag:s8], $0x0  }
0x24: {  	s3 =	sadd.s32 $0x88, s3;
	s6 =	simm.s32 @!p1 $0x1082;
	[sflag:s4] =	ssyncset.s32 $0xFFFFF086  }
0x25: {  	[simem:s6], [sflag:s4] =	dma.local [hbm:s3], $0xF7A  }
0x26: {  	[smem:$0x3F99] =	sst s1;
	(tag) =	ssettag s2;
	_ =	strace s9  }
0x27: {  	s1 =	sld [smem:$0x3FA9]  }
0x28: {  	s2 =	sld [smem:$0x3FAA]  }
0x29: {  	s4 =	sld [smem:$0x3FAC]  }
0x2a: {  	p0 =	seq.s32 s5, $0x0;
	s5 =	sld [smem:$0x3FAD]  }
0x2b: {  	s6 =	sld [smem:$0x3FAE]  }
0x2c: {  	s7 =	sld [smem:$0x3FAF]  }
0x2d: {  	s3 =	simm.s32 $0x108;
	s8 =	sld [smem:$0x3FB0]  }
0x2e: {  	s3 =	simm.s32 @!p0 $0x1082;
	s9 =	sld [smem:$0x3FB1]  }
0x2f: {  	lr =	sadd.s32 s0, s3;
	s0 =	sld [smem:$0x3FA8]  }
0x30: {  	s3 =	sld [smem:$0x3FAB]  }
0x31: {  	[smem:$0x3FB4] =	sst s10  }
0x32: {  	s10 =	sld [smem:$0x3FB2];
	_ =	sdelay $0x3  }
0x33: {  	p0 =	seq.s32 s10, $0x1;
	s10 =	sld [smem:$0x3FB4];
	_ =	sdelay $0x3  }
0x34: {  	[smem:$0x3FB4] =	sst s10  }
0x35: {  	s10 =	sld [smem:$0x3FB3];
	_ =	sdelay $0x3  }
0x36: {  	p1 =	seq.s32 s10, $0x1;
	s10 =	sld [smem:$0x3FB4];
	_ =	sdelay $0x3  }
0x37: {  	[smem:$0x3FB4] =	sst s10  }
0x38: {  	s10 =	sld [smem:$0x3FB5]  }
0x39: {  	_ = 	snop;
	(pc) =	sbr.ind lr, $3  }
0x3a: {  	_ = 	snop  }
0x3b: {  	_ = 	snop  }
0x3c: {  	p2 =	seq.s32 s10, $0x1;
	s10 =	sld [smem:$0x3FB4]  }
0x3d: {  	_ =	shalt  }
0x3e: {  	_ =	shalt  }
0x3f: {  	_ =	shalt  }
0x40: {  	_ =	shalt  }
0x41: {  	_ =	shalt  }
0x42: {  	_ =	shalt  }
0x43: {  	_ =	shalt  }
0x44: {  	_ =	shalt  }
0x45: {  	_ =	shalt  }
0x46: {  	_ =	shalt  }
0x47: {  	_ =	shalt  }
0x48: {  	_ =	shalt  }
0x49: {  	_ =	shalt  }
0x4a: {  	_ =	shalt  }
0x4b: {  	_ =	shalt  }
0x4c: {  	_ =	shalt  }
0x4d: {  	_ =	shalt  }
0x4e: {  	_ =	shalt  }
0x4f: {  	_ =	shalt  }
0x50: {  	_ =	shalt  }
0x51: {  	_ =	shalt  }
0x52: {  	_ =	shalt  }
0x53: {  	_ =	shalt  }
0x54: {  	_ =	shalt  }
0x55: {  	_ =	shalt  }
0x56: {  	_ =	shalt  }
0x57: {  	_ =	shalt  }
0x58: {  	_ =	shalt  }
0x59: {  	_ =	shalt  }
0x5a: {  	_ =	shalt  }
0x5b: {  	_ =	shalt  }
0x5c: {  	_ =	shalt  }
0x5d: {  	_ =	shalt  }
0x5e: {  	_ =	shalt  }
0x5f: {  	_ =	shalt  }
0x60: {  	_ =	shalt  }
0x61: {  	_ =	shalt  }
0x62: {  	_ =	shalt  }
0x63: {  	_ =	shalt  }
0x64: {  	_ =	shalt  }
0x65: {  	_ =	shalt  }
0x66: {  	_ =	shalt  }
0x67: {  	_ =	shalt  }
0x68: {  	_ =	shalt  }
0x69: {  	_ =	shalt  }
0x6a: {  	_ =	shalt  }
0x6b: {  	_ =	shalt  }
0x6c: {  	_ =	shalt  }
0x6d: {  	_ =	shalt  }
0x6e: {  	_ =	shalt  }
0x6f: {  	_ =	shalt  }
0x70: {  	_ =	shalt  }
0x71: {  	_ =	shalt  }
0x72: {  	_ =	shalt  }
0x73: {  	_ =	shalt  }
0x74: {  	_ =	shalt  }
0x75: {  	_ =	shalt  }
0x76: {  	_ =	shalt  }
0x77: {  	_ =	shalt  }
0x78: {  	_ =	shalt  }
0x79: {  	_ =	shalt  }
0x7a: {  	_ =	shalt  }
0x7b: {  	_ =	shalt  }
0x7c: {  	_ =	shalt  }
0x7d: {  	_ =	shalt  }
0x7e: {  	_ =	shalt  }
0x7f: {  	_ =	shalt  }
0x80: {  	_ =	shalt  }
0x81: {  	_ =	shalt  }
0x82: {  	_ =	shalt  }
0x83: {  	_ =	shalt  }
0x84: {  	_ =	shalt  }
0x85: {  	_ =	shalt  }
0x86: {  	_ =	shalt  }
0x87: {  	_ =	shalt  }
.Lfunc_end0:
.L_simem_size_0:
called_computation_lowered:
.L_overlay_start_0:
0x88: {  	s2 =	sld [smem:$0x3FD9]  }
0x89: {  	s3 =	sld [smem:$0x3FFE];
	_ =	sdelay $0x1  }
0x8a: {  	s1 =	srdreg.scid  }
0x8b: {  	s0 =	sand.u32 $0x1, s1  }
0x8c: {  	s14 =	sshll.u32 s0, $0xA;
	s2 =	sadd.s32 s3, s2  }
0x8d: {  	s2 =	sadd.s32 s2, s14  }
0x8e: {  	[smem:$0x3FC0] =	sst s2  }
0x8f: {  	_ = 	snop  }
0x90: {  	s2 =	sld [smem:$0x3FD0];
	_ =	sdelay $0x2  }
0x91: {  	s15 =	simm.s32 $0xB;
	s4 =	simm.s32 $0x10  }
0x92: {  	[smem:s4], [sflag:s15] =	dma.local [hbm:s2], $0x1  }
0x93: {  	_ =	swait.eq [sflag:s15], $0x1  }
0x94: {  	[sflag:s15] =	ssyncset.done $0x0  }
0x95: {  	s16 =	sld [smem:$0x10];
	[sflag:s15] =	ssyncadd.s32 $0xFFFFFFFF  }
0x96: {  	s17 =	sld [smem:$0x11];
	(tm) =	ssettm $0x1  }
0x97: {  	s18 =	sld [smem:$0x3FFB];
	_ =	sdelay $0x3  }
0x98: {  	_ =	strace s18  }
0x99: {  	s4 =	sld [smem:$0x3FFC];
	_ =	sdelay $0x3  }
0x9a: {  	_ =	strace s4  }
0x9b: {  	s4 =	sld [smem:$0x3FFD];
	_ =	sdelay $0x3  }
0x9c: {  	_ =	strace s4  }
0x9d: {  	_ =	strace $0x8FFFFFFF  }
0x9e: {  	s19 =	sld [smem:$0x3FDB];
	_ =	sdelay $0x1  }
0x9f: {  	s5 =	simm.s32 $_scs_section_size  }
0xa0: {  	s6 =	simm.s32 $_size__tile_overlayer_lowered;
	s7 =	simm.s32 $_tile_overlayer_lowered  }
0xa1: {  	s22 =	simm.s32 $0x1BFF;
	s21 =	sshll.u32 s7, $0x1;
	s4 =	sadd.s32 s5, s19  }
0xa2: {  	s8 =	simm.s32 $0x0;
	s20 =	sshll.u32 s6, $0x1;
	s6 =	sadd.s32 s21, s4  }
0xa3: {  	[timem:s8], [sflag:s22] =	dma.local [hbm:s6], s20  }
0xa4: {  	_ =	swait.ge [sflag:s22], s20  }
0xa5: {  	s5 =	ssub.s32 $0x0, s20;
	[sflag:s22] =	ssyncset.done $0x0  }
0xa6: {  	[sflag:s22] =	ssyncadd.s32 s5;
	_ =	sdelay $0x1  }
0xa7: {  	s23 =	simm.s32 $0x1B8B  }
0xa8: {  	_ =	swait.ge [sflag:s23], $0x1  }
0xa9: {  	[sflag:s23] =	ssyncset.done $0x0  }
0xaa: {  	s25 =	simm.s32 $0x1B8E;
	s24 =	sld [smem:$0x3FFE];
	[sflag:s23] =	ssyncadd.s32 $0xFFFFFFFF  }
0xab: {  	s26 =	simm.s32 $execute0_lowered;
	[smem:$0x3FD2] =	sst s25  }
0xac: {  	s6 =	sshll.u32 s26, $0x1;
	_ =	strace $0x80000046;
	[dreg:$0x1] =	wrdreg $0xFFFFFFFF  }
0xad: {  	s28 =	simm.s32 $_size_execute0_lowered;
	s4 =	sadd.s32 s4, s6;
	[dreg:$0x0] =	wrdreg $0x0  }
0xae: {  	s6 =	sshll.u32 s28, $0x1;
	[dreg:$0x2] =	wrdreg s4  }
0xaf: {  	[dreg:$0x3] =	wrdreg s6  }
0xb0: {  	[dreg:$0x4] =	wrdreg $0xC0  }
0xb1: {  	_ =	task [dreg:s8], $0x5FFFF  }
0xb2: {  	[dreg:$0x1] =	wrdreg $0xFFFFFFFF  }
0xb3: {  	[dreg:$0x0] =	wrdreg $0x60  }
0xb4: {  	[dreg:$0x2] =	wrdreg s24  }
0xb5: {  	[dreg:$0x3] =	wrdreg s16  }
0xb6: {  	[dreg:$0x4] =	wrdreg s17  }
0xb7: {  	[dreg:$0x5] =	wrdreg $0x9  }
0xb8: {  	_ =	task.clear_ibuf [dreg:s8], $0x6FFFF;
	_ =	strace $0x90000046  }
0xb9: {  	s29 =	simm.s32 $0x9;
	_ =	strace $0x80000048  }
0xba: {  	_ =	swait.ge [sflag:s29], $0x1  }
0xbb: {  	[sflag:s29] =	ssyncadd.s32 $0xFFFFFFFF  }
0xbc: {  	_ =	strace $0x90000048  }
0xbd: {  	_ =	sfence  }
0xbe: {  	s30 =	sld [smem:$0x0];
	_ =	sdelay $0x2  }
0xbf: {  	s31 =	sshll.u32 s1, $0xD;
	s1 =	sshrl.u32 s1, $0x2  }
0xc0: {  	s3 =	sand.u32 $0x4000, s31;
	s1 =	sadd.s32 s1, s30  }
0xc1: {  	s0 =	sor.u32 s3, s0;
	s1 =	sshll.u32 s1, $0x11  }
0xc2: {  	s0 =	sor.u32 s1, s0  }
0xc3: {  	s0 =	sadd.s32 $0x8F2B, s0  }
0xc4: {  	[sflag:s0] =	ssyncadd.remote.s32 $0x1  }
0xc5: {  	_ =	sfence.sel $0xFFFF  }
0xc6: {  	[dreg:$0x0] =	wrdreg $0xFFFFFFFF;
	(pc) =	sbr.abs _section_cstart, $3  }
0xc7: {  	[dreg:$0x1] =	wrdreg $0xFFFFFFFF  }
0xc8: {  	_ =	task.clear_ibuf [dreg:s8], $0x2FFFF;
	_ =	strace $0x9FFFFFFF  }
0xc9: {  	(tm) =	ssettm $0x7FFFFFFF  }
tec
execute0_lowered:
.L_overlay_start_1:
0x0: {  	(tag) =	ssettag $0x1  }
0x1: {  	s8 =	rddreg [dreg:$0x0]  }
0x2: {  	s1 =	rddreg [dreg:$0x1]  }
0x3: {  	s2 =	rddreg [dreg:$0x2]  }
0x4: {  	s0 =	rddreg [dreg:$0x3];
	s3 =	simm.s32 $0x0;
	s4 =	srdreg.scid  }
0x5: {  	s5 =	stileid.u32;
	s14 =	simm.s32 $0x1C6A0;
	s15 =	simm.s32 $0x4  }
0x6: {  	s16 =	simm.s32 $0x1;
	s17 =	simm.s32 $0x2;
	s18 =	simm.s32 $0x1A6A0  }
0x7: {  	s19 =	simm.s32 $0x1B6A0;
	s20 =	simm.s32 $0x3;
	s21 =	simm.s32 $0x0  }
.Ltmp0:
0x8: {  	[smem:$0x7FF] =	sst s3;
	s4 =	sand.u32 $0x1, s4;
	(pc) =	sbr.rel .LBB2_1-.Ltmp0, $4  }
0x9: {  	s6 =	sadd.s32 $0x1C200, s8;
	s7 =	sadd.s32 $0x1200, s8;
	s9 =	ssub.s32 $0x2, s4  }
0xa: {  	s8 =	sadd.s32 $0xEA00, s8;
	s11 =	sadd.s32 $0x400, s2;
	s10 =	sshrl.u32 s9, $0x1  }
0xb: {  	s12 =	sadd.s32 $0x600, s2;
	_ =	strace $0x80000047;
	s13 =	ssub.s32 s9, s10  }
0xc: {  	s9 =	sshll.u32 s5, $0x1;
	s10 =	sadd.s32 $0x200, s2;
	s13 =	smax.u32 s13, $0x1  }
.LBB2_33:
0xd: {  	s21 =	sadd.s32 $0x1, s21  }
0xe: {  	p0 =	sne.s32 s21, s13  }
.Ltmp1:
0xf: {  	_ = 	snop;
	(pc) =	sbr.rel @!p0 .LBB2_34-.Ltmp1, $1  }
0x10: {  	_ =	sdelay $0x3  }
.LBB2_1:
.Ltmp2:
0x11: {  	(pc) =	sbr.rel .LBB2_2-.Ltmp2, $4  }
0x12: {  	[tilespmem:s14], [sflag:$0x4] =	stream.linear.gather [hbm4b:s1+s3], $0x20, $0x38;
	[tilespmem:$0x1C6C0] =	vst v63  }
0x13: {  	_ =	swait.ge [sflag:s15], $0x20  }
0x14: {  	[sflag:s15] =	ssyncset.done $0x0  }
0x15: {  	s22 =	simm.s32 $0x0;
	[sflag:s15] =	ssyncadd.s32 $0xFFFFFFE0  }
.LBB2_31:
0x16: {  	s23 =	sadd.s32 s24, s12  }
0x17: {  	[hbm4b:s23+s3] =	stream.linear.scatter [tilespmem:s19], [sflag:$0x3], $0x1000, $0x38;
	[tilespmem:$0x1C6C0] =	vst v63  }
0x18: {  	_ =	swait.ge [sflag:s20], $0x1000  }
0x19: {  	[sflag:s20] =	ssyncset.done $0x0  }
0x1a: {  	[sflag:s20] =	ssyncadd.s32 $0xFFFFF000  }
0x1b: {  	_ =	swait.ge [sflag:s20], $0x1000  }
0x1c: {  	[sflag:s20] =	ssyncset.done $0x0  }
0x1d: {  	[sflag:s20] =	ssyncadd.s32 $0xFFFFF000  }
.LBB2_32:
0x1e: {  	s22 =	sadd.s32 $0x1, s22  }
0x1f: {  	p0 =	sne.s32 s22, $0xE  }
.Ltmp3:
0x20: {  	_ = 	snop;
	(pc) =	sbr.rel @!p0 .LBB2_33-.Ltmp3, $1  }
0x21: {  	_ =	sdelay $0x3  }
.LBB2_2:
0x22: {  	s23 =	sshll.u32 s22, $0x5  }
0x23: {  	s23 =	sor.u32 s9, s23  }
0x24: {  	p0 =	sgt.u32 s23, $0x1AF  }
.Ltmp4:
0x25: {  	_ = 	snop;
	(pc) =	sbr.rel @p0 .LBB2_32-.Ltmp4, $1  }
0x26: {  	_ =	sdelay $0x3  }
0x27: {  	s28 =	sshrl.u32 s23, $0x4  }
0x28: {  	s24 =	sor.u32 s4, s23;
	s25 =	smax.u32 s28, $0x1  }
0x29: {  	s30 =	sand.u32 $0xF, s24;
	s25 =	smul.u32 $0x186A00, s25  }
0x2a: {  	v0 =	vmov s30;
	s23 =	smul.u32 $0x186A0, s30  }
0x2b: {  	v1 =	vor.u32 $0x10, v0  }
0x2c: {  	s23 =	sadd.s32 s23, s25  }
0x2d: {  	s23 =	sadd.s32 $0xFFE79600, s23  }
0x2e: {  	s23 =	sshrl.u32 s23, $0x3  }
0x2f: {  	v0 =	vld.idx.msk [tilespmem:v0+s14+$0x0], $0xffff;
	s23 =	sadd.s32 s6, s23  }
0x30: {  	v1 =	vld.idx.msk [tilespmem:v1+s14+$0x0], $0xffff;
	[tilespmem:s3], [sflag:$0x1] =	stream.linear.gather [hbm4b:s23+s3], $0x186A0, $0x38  }
0x31: {  	s23 =	sshll.u32 s28, $0xB  }
0x32: {  	s26 =	simm.s32 $0x186A0;
	s31 =	sadd.s32 s7, s23  }
0x33: {  	[tilespmem:s26], [sflag:$0x2] =	stream.linear.gather [hbm4b:s31+s3], $0x1000, $0x38;
	[tilespmem:$0x1C6C0] =	vst v63  }
0x34: {  	s25 =	simm.s32 $0x1A6A0;
	s29 =	sadd.s32 s8, s23  }
0x35: {  	[tilespmem:s25], [sflag:$0x2] =	stream.linear.gather [hbm4b:s29+s3], $0x1000, $0x38;
	[tilespmem:$0x1C6C0] =	vst v63  }
0x36: {  	_ =	swait.ge [sflag:s16], $0x186A0  }
0x37: {  	[sflag:s16] =	ssyncset.done $0x0  }
0x38: {  	[sflag:s16] =	ssyncadd.s32 $0xFFFE7960  }
0x39: {  	p0 =	sne.s32 s28, $0x0;
	_ =	swait.ge [sflag:s17], $0x1000  }
.Ltmp5:
0x3a: {  	[sflag:s17] =	ssyncset.done $0x0;
	(pc) =	sbr.rel @!p0 .LBB2_4-.Ltmp5, $4  }
0x3b: {  	[sflag:s17] =	ssyncadd.s32 $0xFFFFF000  }
0x3c: {  	_ =	swait.ge [sflag:s17], $0x1000  }
0x3d: {  	[sflag:s17] =	ssyncset.done $0x0  }
0x3e: {  	[sflag:s17] =	ssyncadd.s32 $0xFFFFF000  }
0x3f: {  	v2 =	vld [tilespmem:s26+$0x0];
	_ =	sdelay $0x7  }
0x40: {  	s31 =	simm.s32 $0x186B0;
	v5 =	vld.idx.msk [tilespmem:v2+s3+$0x0], $0xffff  }
0x41: {  	v2 =	vld [tilespmem:s31+$0x0]  }
0x42: {  	v4 =	vld [tilespmem:s25+$0x0]  }
0x43: {  	s28 =	simm.s32 $0x186C0  }
0x44: {  	v3 =	vld [tilespmem:s28+$0x0];
	_ =	sdelay $0x2  }
0x45: {  	s26 =	simm.s32 $0x1A6B0;
	v5 =	vmul.f32 v4, v5  }
0x46: {  	s29 =	simm.s32 $0x20;
	v4 =	vld [tilespmem:s26+$0x0]  }
.LBB2_8:
0x47: {  	s29 =	sadd.s32 $0x10, s29;
	s28 =	sadd.s32 $0x10, s28;
	v6 =	vld.idx.msk [tilespmem:v2+s3+$0x0], $0xffff;
	[tilespmem:s25+$0x0] =	vst v5;
	v2 =	vmov v3;
	s25 =	smov.u32 s26  }
0x48: {  	v3 =	vld [tilespmem:s28+$0x0];
	p1 =	slt.u32 s29, $0xFF0;
	_ =	sdelay $0x1  }
.Ltmp6:
0x49: {  	(pc) =	sbr.rel @p1 .LBB2_8-.Ltmp6, $3  }
0x4a: {  	_ =	sdelay $0x1  }
0x4b: {  	s26 =	sadd.s32 $0x10, s26;
	v5 =	vmul.f32 v4, v6  }
0x4c: {  	v4 =	vld [tilespmem:s26+$0x0]  }
0x4d: {  	_ =	sdelay $0x3  }
0x4e: {  	v2 =	vld.idx.msk [tilespmem:v2+s3+$0x0], $0xffff  }
0x4f: {  	s28 =	sadd.s32 $0x10, s26;
	v3 =	vld.idx.msk [tilespmem:v3+s3+$0x0], $0xffff  }
0x50: {  	v6 =	vld [tilespmem:s28+$0x0];
	_ =	sdelay $0x2  }
.Ltmp7:
0x51: {  	_ = 	snop;
	(pc) =	sbr.rel .LBB2_10-.Ltmp7, $4  }
0x52: {  	v2 =	vmul.f32 v4, v2  }
0x53: {  	[tilespmem:s25+$0x0] =	vst v5;
	v3 =	vmul.f32 v6, v3  }
0x54: {  	[tilespmem:s26+$0x0] =	vst v2  }
0x55: {  	[tilespmem:s28+$0x0] =	vst v3  }
.LBB2_4:
0x56: {  	v2 =	vld [tilespmem:s26+$0x0];
	_ =	sdelay $0x4  }
0x57: {  	v3 =	vld [tilespmem:s25+$0x0];
	v2 =	vmul.f32 v2, v0  }
0x58: {  	s28 =	simm.s32 $0x186B0  }
0x59: {  	v4 =	vadd.f32 v2, v1;
	v2 =	vld [tilespmem:s28+$0x0];
	_ =	sdelay $0x1  }
0x5a: {  	s26 =	simm.s32 $0x1A6B0  }
0x5b: {  	s29 =	simm.s32 $0x10;
	v4 =	vmul.f32 v4, v3;
	v3 =	vld [tilespmem:s26+$0x0]  }
.LBB2_5:
0x5c: {  	s29 =	sadd.s32 $0x10, s29  }
0x5d: {  	v5 =	vmul.f32 v2, v0;
	s28 =	sadd.s32 $0x10, s28;
	[tilespmem:s25+$0x0] =	vst v4;
	s25 =	smov.u32 s26;
	p1 =	slt.u32 s29, $0xFF0  }
.Ltmp8:
0x5e: {  	v2 =	vld [tilespmem:s28+$0x0];
	(pc) =	sbr.rel @p1 .LBB2_5-.Ltmp8, $3  }
0x5f: {  	v4 =	vadd.f32 v5, v1;
	_ =	sdelay $0x1  }
0x60: {  	s26 =	sadd.s32 $0x10, s26;
	v4 =	vmul.f32 v4, v3  }
0x61: {  	v3 =	vld [tilespmem:s26+$0x0]  }
0x62: {  	v2 =	vmul.f32 v2, v0;
	_ =	sdelay $0x1  }
0x63: {  	v2 =	vadd.f32 v2, v1;
	_ =	sdelay $0x1  }
0x64: {  	v2 =	vmul.f32 v2, v3  }
0x65: {  	[tilespmem:s25+$0x0] =	vst v4  }
0x66: {  	[tilespmem:s26+$0x0] =	vst v2  }
.LBB2_10:
0x67: {  	s24 =	sshll.u32 s24, $0xB  }
0x68: {  	s30 =	sor.u32 $0x200, s23;
	s25 =	sadd.s32 s2, s24  }
0x69: {  	[hbm4b:s25+s3] =	stream.linear.scatter [tilespmem:s18], [sflag:$0x3], $0x1000, $0x38;
	[tilespmem:$0x1C6C0] =	vst v63  }
0x6a: {  	s26 =	simm.s32 $0x196A0;
	s28 =	sadd.s32 s7, s30  }
0x6b: {  	[tilespmem:s26], [sflag:$0x2] =	stream.linear.gather [hbm4b:s28+s3], $0x1000, $0x38;
	[tilespmem:$0x1C6C0] =	vst v63  }
0x6c: {  	s31 =	sadd.s32 s8, s30;
	s25 =	simm.s32 $0x1B6A0  }
0x6d: {  	[tilespmem:s25], [sflag:$0x2] =	stream.linear.gather [hbm4b:s31+s3], $0x1000, $0x38;
	[tilespmem:$0x1C6C0] =	vst v63  }
0x6e: {  	_ =	swait.ge [sflag:s17], $0x1000  }
.Ltmp9:
0x6f: {  	[sflag:s17] =	ssyncset.done $0x0;
	(pc) =	sbr.rel @!p0 .LBB2_11-.Ltmp9, $4  }
0x70: {  	[sflag:s17] =	ssyncadd.s32 $0xFFFFF000  }
0x71: {  	_ =	swait.ge [sflag:s17], $0x1000  }
0x72: {  	[sflag:s17] =	ssyncset.done $0x0  }
0x73: {  	[sflag:s17] =	ssyncadd.s32 $0xFFFFF000  }
0x74: {  	v2 =	vld [tilespmem:s26+$0x0];
	_ =	sdelay $0x7  }
0x75: {  	s31 =	simm.s32 $0x196B0;
	v5 =	vld.idx.msk [tilespmem:v2+s3+$0x0], $0xffff  }
0x76: {  	v2 =	vld [tilespmem:s31+$0x0]  }
0x77: {  	v4 =	vld [tilespmem:s25+$0x0]  }
0x78: {  	s28 =	simm.s32 $0x196C0  }
0x79: {  	v3 =	vld [tilespmem:s28+$0x0];
	_ =	sdelay $0x2  }
0x7a: {  	s26 =	simm.s32 $0x1B6B0;
	v5 =	vmul.f32 v4, v5  }
0x7b: {  	s29 =	simm.s32 $0x20;
	v4 =	vld [tilespmem:s26+$0x0]  }
.LBB2_15:
0x7c: {  	s29 =	sadd.s32 $0x10, s29;
	s28 =	sadd.s32 $0x10, s28;
	v6 =	vld.idx.msk [tilespmem:v2+s3+$0x0], $0xffff;
	[tilespmem:s25+$0x0] =	vst v5;
	v2 =	vmov v3;
	s25 =	smov.u32 s26  }
0x7d: {  	v3 =	vld [tilespmem:s28+$0x0];
	p1 =	slt.u32 s29, $0xFF0;
	_ =	sdelay $0x1  }
.Ltmp10:
0x7e: {  	(pc) =	sbr.rel @p1 .LBB2_15-.Ltmp10, $3  }
0x7f: {  	_ =	sdelay $0x1  }
0x80: {  	s26 =	sadd.s32 $0x10, s26;
	v5 =	vmul.f32 v4, v6  }
0x81: {  	v4 =	vld [tilespmem:s26+$0x0]  }
0x82: {  	_ =	sdelay $0x3  }
0x83: {  	v2 =	vld.idx.msk [tilespmem:v2+s3+$0x0], $0xffff  }
0x84: {  	s28 =	sadd.s32 $0x10, s26;
	v3 =	vld.idx.msk [tilespmem:v3+s3+$0x0], $0xffff  }
0x85: {  	v6 =	vld [tilespmem:s28+$0x0];
	_ =	sdelay $0x2  }
.Ltmp11:
0x86: {  	_ = 	snop;
	(pc) =	sbr.rel .LBB2_17-.Ltmp11, $4  }
0x87: {  	v2 =	vmul.f32 v4, v2  }
0x88: {  	[tilespmem:s25+$0x0] =	vst v5;
	v3 =	vmul.f32 v6, v3  }
0x89: {  	[tilespmem:s26+$0x0] =	vst v2  }
0x8a: {  	[tilespmem:s28+$0x0] =	vst v3  }
.LBB2_11:
0x8b: {  	v2 =	vld [tilespmem:s26+$0x0];
	_ =	sdelay $0x4  }
0x8c: {  	v3 =	vld [tilespmem:s25+$0x0];
	v2 =	vmul.f32 v2, v0  }
0x8d: {  	s28 =	simm.s32 $0x196B0  }
0x8e: {  	v4 =	vadd.f32 v2, v1;
	v2 =	vld [tilespmem:s28+$0x0];
	_ =	sdelay $0x1  }
0x8f: {  	s26 =	simm.s32 $0x1B6B0  }
0x90: {  	s29 =	simm.s32 $0x10;
	v4 =	vmul.f32 v4, v3;
	v3 =	vld [tilespmem:s26+$0x0]  }
.LBB2_12:
0x91: {  	s29 =	sadd.s32 $0x10, s29  }
0x92: {  	v5 =	vmul.f32 v2, v0;
	s28 =	sadd.s32 $0x10, s28;
	[tilespmem:s25+$0x0] =	vst v4;
	s25 =	smov.u32 s26;
	p1 =	slt.u32 s29, $0xFF0  }
.Ltmp12:
0x93: {  	v2 =	vld [tilespmem:s28+$0x0];
	(pc) =	sbr.rel @p1 .LBB2_12-.Ltmp12, $3  }
0x94: {  	v4 =	vadd.f32 v5, v1;
	_ =	sdelay $0x1  }
0x95: {  	s26 =	sadd.s32 $0x10, s26;
	v4 =	vmul.f32 v4, v3  }
0x96: {  	v3 =	vld [tilespmem:s26+$0x0]  }
0x97: {  	v2 =	vmul.f32 v2, v0;
	_ =	sdelay $0x1  }
0x98: {  	v2 =	vadd.f32 v2, v1;
	_ =	sdelay $0x1  }
0x99: {  	v2 =	vmul.f32 v2, v3  }
0x9a: {  	[tilespmem:s25+$0x0] =	vst v4  }
0x9b: {  	[tilespmem:s26+$0x0] =	vst v2  }
.LBB2_17:
0x9c: {  	s25 =	sadd.s32 s24, s10  }
0x9d: {  	[hbm4b:s25+s3] =	stream.linear.scatter [tilespmem:s19], [sflag:$0x3], $0x1000, $0x38;
	[tilespmem:$0x1C6C0] =	vst v63  }
0x9e: {  	_ =	swait.ge [sflag:s20], $0x1000  }
0x9f: {  	s30 =	sor.u32 $0x400, s23;
	[sflag:s20] =	ssyncset.done $0x0  }
0xa0: {  	s26 =	simm.s32 $0x186A0;
	s28 =	sadd.s32 s7, s30;
	[sflag:s20] =	ssyncadd.s32 $0xFFFFF000  }
0xa1: {  	[tilespmem:s26], [sflag:$0x2] =	stream.linear.gather [hbm4b:s28+s3], $0x1000, $0x38;
	[tilespmem:$0x1C6C0] =	vst v63  }
0xa2: {  	s31 =	sadd.s32 s8, s30;
	s25 =	simm.s32 $0x1A6A0  }
0xa3: {  	[tilespmem:s25], [sflag:$0x2] =	stream.linear.gather [hbm4b:s31+s3], $0x1000, $0x38;
	[tilespmem:$0x1C6C0] =	vst v63  }
0xa4: {  	_ =	swait.ge [sflag:s17], $0x1000  }
.Ltmp13:
0xa5: {  	[sflag:s17] =	ssyncset.done $0x0;
	(pc) =	sbr.rel @!p0 .LBB2_18-.Ltmp13, $4  }
0xa6: {  	[sflag:s17] =	ssyncadd.s32 $0xFFFFF000  }
0xa7: {  	_ =	swait.ge [sflag:s17], $0x1000  }
0xa8: {  	[sflag:s17] =	ssyncset.done $0x0  }
0xa9: {  	[sflag:s17] =	ssyncadd.s32 $0xFFFFF000  }
0xaa: {  	v2 =	vld [tilespmem:s26+$0x0];
	_ =	sdelay $0x7  }
0xab: {  	s31 =	simm.s32 $0x186B0;
	v5 =	vld.idx.msk [tilespmem:v2+s3+$0x0], $0xffff  }
0xac: {  	v2 =	vld [tilespmem:s31+$0x0]  }
0xad: {  	v4 =	vld [tilespmem:s25+$0x0]  }
0xae: {  	s28 =	simm.s32 $0x186C0  }
0xaf: {  	v3 =	vld [tilespmem:s28+$0x0];
	_ =	sdelay $0x2  }
0xb0: {  	s26 =	simm.s32 $0x1A6B0;
	v5 =	vmul.f32 v4, v5  }
0xb1: {  	s29 =	simm.s32 $0x20;
	v4 =	vld [tilespmem:s26+$0x0]  }
.LBB2_22:
0xb2: {  	s29 =	sadd.s32 $0x10, s29;
	s28 =	sadd.s32 $0x10, s28;
	v6 =	vld.idx.msk [tilespmem:v2+s3+$0x0], $0xffff;
	[tilespmem:s25+$0x0] =	vst v5;
	v2 =	vmov v3;
	s25 =	smov.u32 s26  }
0xb3: {  	v3 =	vld [tilespmem:s28+$0x0];
	p1 =	slt.u32 s29, $0xFF0;
	_ =	sdelay $0x1  }
.Ltmp14:
0xb4: {  	(pc) =	sbr.rel @p1 .LBB2_22-.Ltmp14, $3  }
0xb5: {  	_ =	sdelay $0x1  }
0xb6: {  	s26 =	sadd.s32 $0x10, s26;
	v5 =	vmul.f32 v4, v6  }
0xb7: {  	v4 =	vld [tilespmem:s26+$0x0]  }
0xb8: {  	_ =	sdelay $0x3  }
0xb9: {  	v2 =	vld.idx.msk [tilespmem:v2+s3+$0x0], $0xffff  }
0xba: {  	s28 =	sadd.s32 $0x10, s26;
	v3 =	vld.idx.msk [tilespmem:v3+s3+$0x0], $0xffff  }
0xbb: {  	v6 =	vld [tilespmem:s28+$0x0];
	_ =	sdelay $0x2  }
.Ltmp15:
0xbc: {  	_ = 	snop;
	(pc) =	sbr.rel .LBB2_24-.Ltmp15, $4  }
0xbd: {  	v2 =	vmul.f32 v4, v2  }
0xbe: {  	[tilespmem:s25+$0x0] =	vst v5;
	v3 =	vmul.f32 v6, v3  }
0xbf: {  	[tilespmem:s26+$0x0] =	vst v2  }
0xc0: {  	[tilespmem:s28+$0x0] =	vst v3  }
.LBB2_18:
0xc1: {  	v2 =	vld [tilespmem:s26+$0x0];
	_ =	sdelay $0x4  }
0xc2: {  	v3 =	vld [tilespmem:s25+$0x0];
	v2 =	vmul.f32 v2, v0  }
0xc3: {  	s28 =	simm.s32 $0x186B0  }
0xc4: {  	v4 =	vadd.f32 v2, v1;
	v2 =	vld [tilespmem:s28+$0x0];
	_ =	sdelay $0x1  }
0xc5: {  	s26 =	simm.s32 $0x1A6B0  }
0xc6: {  	s29 =	simm.s32 $0x10;
	v4 =	vmul.f32 v4, v3;
	v3 =	vld [tilespmem:s26+$0x0]  }
.LBB2_19:
0xc7: {  	s29 =	sadd.s32 $0x10, s29  }
0xc8: {  	v5 =	vmul.f32 v2, v0;
	s28 =	sadd.s32 $0x10, s28;
	[tilespmem:s25+$0x0] =	vst v4;
	s25 =	smov.u32 s26;
	p1 =	slt.u32 s29, $0xFF0  }
.Ltmp16:
0xc9: {  	v2 =	vld [tilespmem:s28+$0x0];
	(pc) =	sbr.rel @p1 .LBB2_19-.Ltmp16, $3  }
0xca: {  	v4 =	vadd.f32 v5, v1;
	_ =	sdelay $0x1  }
0xcb: {  	s26 =	sadd.s32 $0x10, s26;
	v4 =	vmul.f32 v4, v3  }
0xcc: {  	v3 =	vld [tilespmem:s26+$0x0]  }
0xcd: {  	v2 =	vmul.f32 v2, v0;
	_ =	sdelay $0x1  }
0xce: {  	v2 =	vadd.f32 v2, v1;
	_ =	sdelay $0x1  }
0xcf: {  	v2 =	vmul.f32 v2, v3  }
0xd0: {  	[tilespmem:s25+$0x0] =	vst v4  }
0xd1: {  	[tilespmem:s26+$0x0] =	vst v2  }
.LBB2_24:
0xd2: {  	s25 =	sadd.s32 s24, s11  }
0xd3: {  	[hbm4b:s25+s3] =	stream.linear.scatter [tilespmem:s18], [sflag:$0x3], $0x1000, $0x38;
	[tilespmem:$0x1C6C0] =	vst v63  }
0xd4: {  	_ =	swait.ge [sflag:s20], $0x1000  }
0xd5: {  	s23 =	sor.u32 $0x600, s23;
	[sflag:s20] =	ssyncset.done $0x0  }
0xd6: {  	s26 =	sadd.s32 s7, s23;
	s25 =	simm.s32 $0x196A0;
	[sflag:s20] =	ssyncadd.s32 $0xFFFFF000  }
0xd7: {  	[tilespmem:s25], [sflag:$0x2] =	stream.linear.gather [hbm4b:s26+s3], $0x1000, $0x38;
	[tilespmem:$0x1C6C0] =	vst v63  }
0xd8: {  	s31 =	sadd.s32 s8, s23;
	s23 =	simm.s32 $0x1B6A0  }
0xd9: {  	[tilespmem:s23], [sflag:$0x2] =	stream.linear.gather [hbm4b:s31+s3], $0x1000, $0x38;
	[tilespmem:$0x1C6C0] =	vst v63  }
0xda: {  	_ =	swait.ge [sflag:s17], $0x1000  }
.Ltmp17:
0xdb: {  	[sflag:s17] =	ssyncset.done $0x0;
	(pc) =	sbr.rel @!p0 .LBB2_25-.Ltmp17, $4  }
0xdc: {  	[sflag:s17] =	ssyncadd.s32 $0xFFFFF000  }
0xdd: {  	_ =	swait.ge [sflag:s17], $0x1000  }
0xde: {  	[sflag:s17] =	ssyncset.done $0x0  }
0xdf: {  	[sflag:s17] =	ssyncadd.s32 $0xFFFFF000  }
0xe0: {  	v0 =	vld [tilespmem:s25+$0x0];
	_ =	sdelay $0x7  }
0xe1: {  	s31 =	simm.s32 $0x196B0;
	v3 =	vld.idx.msk [tilespmem:v0+s3+$0x0], $0xffff  }
0xe2: {  	v0 =	vld [tilespmem:s31+$0x0]  }
0xe3: {  	v2 =	vld [tilespmem:s23+$0x0]  }
0xe4: {  	s26 =	simm.s32 $0x196C0  }
0xe5: {  	v1 =	vld [tilespmem:s26+$0x0];
	_ =	sdelay $0x2  }
0xe6: {  	s25 =	simm.s32 $0x1B6B0;
	v3 =	vmul.f32 v2, v3  }
0xe7: {  	s28 =	simm.s32 $0x20;
	v2 =	vld [tilespmem:s25+$0x0]  }
.LBB2_29:
0xe8: {  	s28 =	sadd.s32 $0x10, s28;
	s26 =	sadd.s32 $0x10, s26;
	v4 =	vld.idx.msk [tilespmem:v0+s3+$0x0], $0xffff;
	[tilespmem:s23+$0x0] =	vst v3;
	v0 =	vmov v1;
	s23 =	smov.u32 s25  }
0xe9: {  	v1 =	vld [tilespmem:s26+$0x0];
	p0 =	slt.u32 s28, $0xFF0;
	_ =	sdelay $0x1  }
.Ltmp18:
0xea: {  	(pc) =	sbr.rel @p0 .LBB2_29-.Ltmp18, $3  }
0xeb: {  	_ =	sdelay $0x1  }
0xec: {  	s25 =	sadd.s32 $0x10, s25;
	v3 =	vmul.f32 v2, v4  }
0xed: {  	v2 =	vld [tilespmem:s25+$0x0]  }
0xee: {  	_ =	sdelay $0x3  }
0xef: {  	v0 =	vld.idx.msk [tilespmem:v0+s3+$0x0], $0xffff  }
0xf0: {  	s26 =	sadd.s32 $0x10, s25;
	v1 =	vld.idx.msk [tilespmem:v1+s3+$0x0], $0xffff  }
0xf1: {  	v4 =	vld [tilespmem:s26+$0x0];
	_ =	sdelay $0x2  }
.Ltmp19:
0xf2: {  	_ = 	snop;
	(pc) =	sbr.rel .LBB2_31-.Ltmp19, $4  }
0xf3: {  	v0 =	vmul.f32 v2, v0  }
0xf4: {  	[tilespmem:s23+$0x0] =	vst v3;
	v1 =	vmul.f32 v4, v1  }
0xf5: {  	[tilespmem:s25+$0x0] =	vst v0  }
0xf6: {  	[tilespmem:s26+$0x0] =	vst v1  }
.LBB2_25:
0xf7: {  	v2 =	vld [tilespmem:s25+$0x0];
	_ =	sdelay $0x4  }
0xf8: {  	v3 =	vld [tilespmem:s23+$0x0];
	v2 =	vmul.f32 v2, v0  }
0xf9: {  	s26 =	simm.s32 $0x196B0  }
0xfa: {  	v4 =	vadd.f32 v2, v1;
	v2 =	vld [tilespmem:s26+$0x0];
	_ =	sdelay $0x1  }
0xfb: {  	s25 =	simm.s32 $0x1B6B0  }
0xfc: {  	s28 =	simm.s32 $0x10;
	v4 =	vmul.f32 v4, v3;
	v3 =	vld [tilespmem:s25+$0x0]  }
.LBB2_26:
0xfd: {  	s28 =	sadd.s32 $0x10, s28  }
0xfe: {  	v5 =	vmul.f32 v2, v0;
	s26 =	sadd.s32 $0x10, s26;
	[tilespmem:s23+$0x0] =	vst v4;
	s23 =	smov.u32 s25;
	p0 =	slt.u32 s28, $0xFF0  }
.Ltmp20:
0xff: {  	v2 =	vld [tilespmem:s26+$0x0];
	(pc) =	sbr.rel @p0 .LBB2_26-.Ltmp20, $3  }
0x100: {  	v4 =	vadd.f32 v5, v1;
	_ =	sdelay $0x1  }
0x101: {  	s25 =	sadd.s32 $0x10, s25;
	v4 =	vmul.f32 v4, v3  }
0x102: {  	v3 =	vld [tilespmem:s25+$0x0]  }
0x103: {  	v0 =	vmul.f32 v2, v0;
	_ =	sdelay $0x1  }
.Ltmp21:
0x104: {  	v0 =	vadd.f32 v0, v1;
	(pc) =	sbr.rel .LBB2_31-.Ltmp21, $4  }
0x105: {  	_ = 	snop  }
0x106: {  	v0 =	vmul.f32 v0, v3  }
0x107: {  	[tilespmem:s23+$0x0] =	vst v4  }
0x108: {  	[tilespmem:s25+$0x0] =	vst v0  }
.LBB2_34:
0x109: {  	_ =	sfence.sel $0x180000  }
0x10a: {  	[bflag:$0x0] =	sbarrier.arrive $0xFFFF  }
0x10b: {  	p0 =	sne.s32 s5, $0x0;
	_ =	strace $0x90000047  }
0x10c: {  	s0 =	sadd.s32 @!p0 $0x100000, s0;
	[bflag:$0x2] =	sbarrier.arrive $0xFFFF  }
0x10d: {  	[sflag:s0] =	ssyncadd.tile.s32 @!p0 $0x1;
	_ =	shalt  }
.Lfunc_end2:
_tile_overlayer_lowered:
.L_overlay_start_2:
0x10e: {  	(tag) =	ssettag $0x2  }
0x10f: {  	s0 =	rddreg [dreg:$0x0];
	s2 =	stileid.u32  }
0x110: {  	s1 =	rddreg [dreg:$0x1];
	p0 =	sne.s32 s2, $0x0  }
0x111: {  	s3 =	rddreg [dreg:$0x2];
	[bflag:$0x3] =	sbarrier.arrive $0xFFFF;
	s2 =	simm.s32 @!p0 $0x1C04  }
0x112: {  	[timem:s3], [sflag:s2] =	dma.local @!p0 [hbm:s0], s1  }
0x113: {  	s0 =	simm.s32 @!p0 $0x4  }
0x114: {  	_ =	swait.ge @!p0 [sflag:s0], s1  }
0x115: {  	s1 =	ssub.s32 @!p0 $0x0, s1;
	[sflag:s0] =	ssyncset.done @!p0 $0x0  }
0x116: {  	[sflag:s0] =	ssyncadd.s32 @!p0 s1  }
0x117: {  	[bflag:$0x3] =	sbarrier.arrive $0xFFFF  }
0x118: {  	_ =	shalt  }

// kernel: kernel.7.cloned.1.call-start
scs
__scs_entry_jumppad:
0x0: {  	(pc) =	sbr.rel $0x88, $3  }
0x1: {  	(tag) =	ssettag $0x0;
	lr =	simm.s32 $0x1  }
0x2: {  	[smem:$0x3F99] =	sst lr;
	_ =	strace $0xD0000000  }
0x3: {  	_ = 	snop  }
0x4: {  	_ = 	snop  }
0x5: {  	_ = 	snop  }
0x6: {  	_ = 	snop  }
0x7: {  	_ = 	snop  }
__scs_overlays_trampoline_lowered:
0x8: {  	[smem:$0x3FA8] =	sst s0  }
0x9: {  	[smem:$0x3FA9] =	sst s1  }
0xa: {  	[smem:$0x3FAA] =	sst s2  }
0xb: {  	[smem:$0x3FAB] =	sst s3  }
0xc: {  	[smem:$0x3FAC] =	sst s4  }
0xd: {  	[smem:$0x3FAD] =	sst s5  }
0xe: {  	[smem:$0x3FAE] =	sst s6  }
0xf: {  	[smem:$0x3FAF] =	sst s7  }
0x10: {  	[smem:$0x3FB0] =	sst s8  }
0x11: {  	[smem:$0x3FB1] =	sst s9;
	s0 =	simm.s32 @!p0 $0x0  }
0x12: {  	s1 =	sld [smem:$0x3F97];
	s0 =	simm.s32 @p0 $0x1  }
0x13: {  	[smem:$0x3FB2] =	sst s0;
	s0 =	simm.s32 @!p1 $0x0  }
0x14: {  	s2 =	sld [smem:$0x3F96];
	s0 =	simm.s32 @p1 $0x1  }
0x15: {  	[smem:$0x3FB3] =	sst s0;
	s0 =	simm.s32 @!p2 $0x0  }
0x16: {  	s3 =	sld [smem:$0x3FDB];
	s0 =	simm.s32 @p2 $0x1  }
0x17: {  	s4 =	simm.s32 $0x1BF5;
	[smem:$0x3FB5] =	sst s0  }
0x18: {  	s0 =	sld [smem:$0x3F98];
	_ =	swait.ge [sflag:s4], $0x0  }
0x19: {  	s7 =	sld [smem:$0x3F99]  }
0x1a: {  	s8 =	sadd.s32 $0xFFFFE003, lr  }
0x1b: {  	s9 =	sadd.s32 $0xFFFFFEF7, lr;
	s5 =	simm.s32 $0xFFFFFFFF;
	p2 =	slt.u32 s8, $0xFFFFF086  }
0x1c: {  	p1 =	slt.u32 s9, $0xF7A;
	s5 =	simm.s32 @!p2 $0x0  }
0x1d: {  	s5 =	simm.s32 @p1 $0x1;
	p0 =	seq.s32 s7, s2  }
0x1e: {  	s7 =	smul.u32 @!p0 $0xF7A, s2;
	p2 =	seq.s32 @!p0 s5, $0x0  }
0x1f: {  	s9 =	smul.u32 $0xF7A, s1;
	s8 =	simm.s32 @!p0 $0x1BF5;
	p2 =	por !p2, p0  }
0x20: {  	[sflag:s8] =	ssyncset.s32 @!p0 $0xFFFFF086;
	s6 =	sadd.s32 @!p0 s3, s7;
	s7 =	simm.s32 @!p0 $0x108  }
0x21: {  	s3 =	sadd.s32 s3, s9;
	s6 =	sadd.s32 @!p0 $0x88, s6;
	s7 =	simm.s32 @p2 $0x1082  }
0x22: {  	[simem:s7], [sflag:s8] =	dma.local @!p0 [hbm:s6], $0xF7A  }
0x23: {  	s9 =	sor.u32 $0xD0000000, s2;
	s6 =	simm.s32 $0x108;
	_ =	swait.ge @!p0 [sflag:s8], $0x0  }
0x24: {  	s3 =	sadd.s32 $0x88, s3;
	s6 =	simm.s32 @!p1 $0x1082;
	[sflag:s4] =	ssyncset.s32 $0xFFFFF086  }
0x25: {  	[simem:s6], [sflag:s4] =	dma.local [hbm:s3], $0xF7A  }
0x26: {  	[smem:$0x3F99] =	sst s1;
	(tag) =	ssettag s2;
	_ =	strace s9  }
0x27: {  	s1 =	sld [smem:$0x3FA9]  }
0x28: {  	s2 =	sld [smem:$0x3FAA]  }
0x29: {  	s4 =	sld [smem:$0x3FAC]  }
0x2a: {  	p0 =	seq.s32 s5, $0x0;
	s5 =	sld [smem:$0x3FAD]  }
0x2b: {  	s6 =	sld [smem:$0x3FAE]  }
0x2c: {  	s7 =	sld [smem:$0x3FAF]  }
0x2d: {  	s3 =	simm.s32 $0x108;
	s8 =	sld [smem:$0x3FB0]  }
0x2e: {  	s3 =	simm.s32 @!p0 $0x1082;
	s9 =	sld [smem:$0x3FB1]  }
0x2f: {  	lr =	sadd.s32 s0, s3;
	s0 =	sld [smem:$0x3FA8]  }
0x30: {  	s3 =	sld [smem:$0x3FAB]  }
0x31: {  	[smem:$0x3FB4] =	sst s10  }
0x32: {  	s10 =	sld [smem:$0x3FB2];
	_ =	sdelay $0x3  }
0x33: {  	p0 =	seq.s32 s10, $0x1;
	s10 =	sld [smem:$0x3FB4];
	_ =	sdelay $0x3  }
0x34: {  	[smem:$0x3FB4] =	sst s10  }
0x35: {  	s10 =	sld [smem:$0x3FB3];
	_ =	sdelay $0x3  }
0x36: {  	p1 =	seq.s32 s10, $0x1;
	s10 =	sld [smem:$0x3FB4];
	_ =	sdelay $0x3  }
0x37: {  	[smem:$0x3FB4] =	sst s10  }
0x38: {  	s10 =	sld [smem:$0x3FB5]  }
0x39: {  	_ = 	snop;
	(pc) =	sbr.ind lr, $3  }
0x3a: {  	_ = 	snop  }
0x3b: {  	_ = 	snop  }
0x3c: {  	p2 =	seq.s32 s10, $0x1;
	s10 =	sld [smem:$0x3FB4]  }
0x3d: {  	_ =	shalt  }
0x3e: {  	_ =	shalt  }
0x3f: {  	_ =	shalt  }
0x40: {  	_ =	shalt  }
0x41: {  	_ =	shalt  }
0x42: {  	_ =	shalt  }
0x43: {  	_ =	shalt  }
0x44: {  	_ =	shalt  }
0x45: {  	_ =	shalt  }
0x46: {  	_ =	shalt  }
0x47: {  	_ =	shalt  }
0x48: {  	_ =	shalt  }
0x49: {  	_ =	shalt  }
0x4a: {  	_ =	shalt  }
0x4b: {  	_ =	shalt  }
0x4c: {  	_ =	shalt  }
0x4d: {  	_ =	shalt  }
0x4e: {  	_ =	shalt  }
0x4f: {  	_ =	shalt  }
0x50: {  	_ =	shalt  }
0x51: {  	_ =	shalt  }
0x52: {  	_ =	shalt  }
0x53: {  	_ =	shalt  }
0x54: {  	_ =	shalt  }
0x55: {  	_ =	shalt  }
0x56: {  	_ =	shalt  }
0x57: {  	_ =	shalt  }
0x58: {  	_ =	shalt  }
0x59: {  	_ =	shalt  }
0x5a: {  	_ =	shalt  }
0x5b: {  	_ =	shalt  }
0x5c: {  	_ =	shalt  }
0x5d: {  	_ =	shalt  }
0x5e: {  	_ =	shalt  }
0x5f: {  	_ =	shalt  }
0x60: {  	_ =	shalt  }
0x61: {  	_ =	shalt  }
0x62: {  	_ =	shalt  }
0x63: {  	_ =	shalt  }
0x64: {  	_ =	shalt  }
0x65: {  	_ =	shalt  }
0x66: {  	_ =	shalt  }
0x67: {  	_ =	shalt  }
0x68: {  	_ =	shalt  }
0x69: {  	_ =	shalt  }
0x6a: {  	_ =	shalt  }
0x6b: {  	_ =	shalt  }
0x6c: {  	_ =	shalt  }
0x6d: {  	_ =	shalt  }
0x6e: {  	_ =	shalt  }
0x6f: {  	_ =	shalt  }
0x70: {  	_ =	shalt  }
0x71: {  	_ =	shalt  }
0x72: {  	_ =	shalt  }
0x73: {  	_ =	shalt  }
0x74: {  	_ =	shalt  }
0x75: {  	_ =	shalt  }
0x76: {  	_ =	shalt  }
0x77: {  	_ =	shalt  }
0x78: {  	_ =	shalt  }
0x79: {  	_ =	shalt  }
0x7a: {  	_ =	shalt  }
0x7b: {  	_ =	shalt  }
0x7c: {  	_ =	shalt  }
0x7d: {  	_ =	shalt  }
0x7e: {  	_ =	shalt  }
0x7f: {  	_ =	shalt  }
0x80: {  	_ =	shalt  }
0x81: {  	_ =	shalt  }
0x82: {  	_ =	shalt  }
0x83: {  	_ =	shalt  }
0x84: {  	_ =	shalt  }
0x85: {  	_ =	shalt  }
0x86: {  	_ =	shalt  }
0x87: {  	_ =	shalt  }
.Lfunc_end0:
.L_simem_size_0:
called_computation.1_lowered:
.L_overlay_start_0:
0x88: {  	s2 =	sld [smem:$0x3FD9]  }
0x89: {  	s3 =	sld [smem:$0x3FFE];
	_ =	sdelay $0x1  }
0x8a: {  	s1 =	srdreg.scid  }
0x8b: {  	s0 =	sand.u32 $0x1, s1  }
0x8c: {  	s17 =	sshll.u32 s0, $0xA;
	s2 =	sadd.s32 s3, s2  }
0x8d: {  	s2 =	sadd.s32 s2, s17  }
0x8e: {  	[smem:$0x3FC0] =	sst s2  }
0x8f: {  	_ = 	snop  }
0x90: {  	(tm) =	ssettm $0x1  }
0x91: {  	s18 =	sld [smem:$0x3FFB];
	_ =	sdelay $0x3  }
0x92: {  	_ =	strace s18  }
0x93: {  	s2 =	sld [smem:$0x3FFC];
	_ =	sdelay $0x3  }
0x94: {  	_ =	strace s2  }
0x95: {  	s2 =	sld [smem:$0x3FFD];
	_ =	sdelay $0x3  }
0x96: {  	_ =	strace s2  }
0x97: {  	_ =	strace $0x8FFFFFFF  }
0x98: {  	s19 =	sld [smem:$0x3FDB];
	_ =	sdelay $0x1  }
0x99: {  	s20 =	simm.s32 $_scs_section_size  }
0x9a: {  	s4 =	simm.s32 $_size__tile_overlayer_lowered;
	s5 =	simm.s32 $_tile_overlayer_lowered  }
0x9b: {  	s6 =	simm.s32 $0x1BFF;
	s21 =	sshll.u32 s5, $0x1;
	s3 =	sadd.s32 s20, s19  }
0x9c: {  	s22 =	simm.s32 $0x0;
	s4 =	sshll.u32 s4, $0x1;
	s5 =	sadd.s32 s21, s3  }
0x9d: {  	[timem:s22], [sflag:s6] =	dma.local [hbm:s5], s4  }
0x9e: {  	_ =	swait.ge [sflag:s6], s4  }
0x9f: {  	s4 =	ssub.s32 $0x0, s4;
	[sflag:s6] =	ssyncset.done $0x0  }
0xa0: {  	[sflag:s6] =	ssyncadd.s32 s4;
	_ =	sdelay $0x1  }
0xa1: {  	s23 =	simm.s32 $0x1B8B  }
0xa2: {  	_ =	swait.ge [sflag:s23], $0x1  }
0xa3: {  	[sflag:s23] =	ssyncset.done $0x0  }
0xa4: {  	[sflag:s23] =	ssyncadd.s32 $0xFFFFFFFF  }
0xa5: {  	s4 =	sld [smem:$0x0]  }
0xa6: {  	s5 =	sand.u32 $0xFFFFFFFE, s1  }
0xa7: {  	p0 =	sne.s32 s1, s5  }
0xa8: {  	s5 =	sshll.u32 @p0 s5, $0xE  }
0xa9: {  	s5 =	sadd.s32 @p0 $0x11B8D, s5;
	s6 =	sshll.u32 @p0 s4, $0x11  }
0xaa: {  	s5 =	sor.u32 @p0 s6, s5  }
0xab: {  	[sflag:s5] =	ssyncadd.remote.s32 @p0 $0x1;
	_ =	sdelay $0x1  }
0xac: {  	s5 =	simm.s32 @p0 $0x1B8D  }
0xad: {  	_ =	swait.eq @p0 [sflag:s5], $0x1  }
0xae: {  	[sflag:s5] =	ssyncadd.s32 @p0 $0xFFFFFFFF  }
0xaf: {  	s6 =	sshll.u32 @!p0 s1, $0xE  }
0xb0: {  	s6 =	sor.u32 @!p0 $0x4000, s6;
	s5 =	simm.s32 @!p0 $0x1B8D  }
0xb1: {  	s4 =	sshll.u32 @!p0 s4, $0x11;
	s6 =	sadd.s32 @!p0 $0x11B8D, s6;
	_ =	swait.eq @!p0 [sflag:s5], $0x1  }
0xb2: {  	s4 =	sor.u32 @!p0 s4, s6;
	[sflag:s5] =	ssyncadd.s32 @!p0 $0xFFFFFFFF  }
0xb3: {  	s25 =	simm.s32 $0x1B8E;
	s24 =	sld [smem:$0x3FFE];
	[sflag:s4] =	ssyncadd.remote.s32 @!p0 $0x1  }
0xb4: {  	s26 =	simm.s32 $execute0_lowered;
	[smem:$0x3FD2] =	sst s25  }
0xb5: {  	s5 =	sshll.u32 s26, $0x1;
	_ =	strace $0x80000049;
	[dreg:$0x1] =	wrdreg $0xFFFFFFFF  }
0xb6: {  	s28 =	simm.s32 $_size_execute0_lowered;
	s3 =	sadd.s32 s3, s5;
	[dreg:$0x0] =	wrdreg $0x0  }
0xb7: {  	s5 =	sshll.u32 s28, $0x1;
	[dreg:$0x2] =	wrdreg s3  }
0xb8: {  	[dreg:$0x3] =	wrdreg s5  }
0xb9: {  	[dreg:$0x4] =	wrdreg $0xC0  }
0xba: {  	_ =	task [dreg:s22], $0x5FFFF  }
0xbb: {  	[dreg:$0x1] =	wrdreg $0xFFFFFFFF  }
0xbc: {  	[dreg:$0x0] =	wrdreg $0x60  }
0xbd: {  	[dreg:$0x2] =	wrdreg s24  }
0xbe: {  	[dreg:$0x3] =	wrdreg $0xA  }
0xbf: {  	_ =	task.clear_ibuf [dreg:s22], $0x4FFFF;
	_ =	strace $0x90000049  }
0xc0: {  	s29 =	simm.s32 $0xA;
	_ =	strace $0x8000004B  }
0xc1: {  	_ =	swait.ge [sflag:s29], $0x1  }
0xc2: {  	[sflag:s29] =	ssyncadd.s32 $0xFFFFFFFF  }
0xc3: {  	_ =	strace $0x9000004B  }
0xc4: {  	_ =	sfence  }
0xc5: {  	s30 =	sld [smem:$0x0];
	_ =	sdelay $0x2  }
0xc6: {  	s31 =	sshll.u32 s1, $0xD;
	s1 =	sshrl.u32 s1, $0x2  }
0xc7: {  	s4 =	sand.u32 $0x4000, s31;
	s1 =	sadd.s32 s1, s30  }
0xc8: {  	s0 =	sor.u32 s4, s0;
	s1 =	sshll.u32 s1, $0x11  }
0xc9: {  	s0 =	sor.u32 s1, s0  }
0xca: {  	s0 =	sadd.s32 $0x8F2B, s0  }
0xcb: {  	[sflag:s0] =	ssyncadd.remote.s32 $0x1  }
0xcc: {  	_ =	sfence.sel $0xFFFF  }
0xcd: {  	[dreg:$0x0] =	wrdreg $0xFFFFFFFF;
	(pc) =	sbr.abs _section_cstart, $3  }
0xce: {  	[dreg:$0x1] =	wrdreg $0xFFFFFFFF  }
0xcf: {  	_ =	task.clear_ibuf [dreg:s22], $0x2FFFF;
	_ =	strace $0x9FFFFFFF  }
0xd0: {  	(tm) =	ssettm $0x7FFFFFFF  }
0xd1: {  	_ =	shalt  }
tec
execute0_lowered:
.L_overlay_start_1:
0x0: {  	(tag) =	ssettag $0x1  }
0x1: {  	s12 =	rddreg [dreg:$0x0]  }
0x2: {  	s0 =	rddreg [dreg:$0x1];
	s1 =	simm.s32 $0x0  }
0x3: {  	s3 =	srdreg.scid;
	s6 =	stileid.u32;
	s14 =	simm.s32 $0x1C6A0  }
0x4: {  	s15 =	simm.s32 $0x4;
	s16 =	simm.s32 $0x1;
	s17 =	simm.s32 $0x2  }
0x5: {  	s18 =	simm.s32 $0x1A6A0;
	s19 =	simm.s32 $0x1B6A0;
	s20 =	simm.s32 $0x3  }
0x6: {  	s21 =	simm.s32 $0x0;
	[smem:$0x7FF] =	sst s1;
	s2 =	sadd.s32 $0x511E00, s12  }
.Ltmp0:
0x7: {  	s3 =	sand.u32 $0x1, s3;
	s4 =	sadd.s32 $0x1200, s12;
	(pc) =	sbr.rel .LBB2_1-.Ltmp0, $4  }
0x8: {  	s5 =	sadd.s32 $0xEA00, s12;
	s7 =	sadd.s32 $0x511C00, s12;
	s9 =	ssub.s32 $0x2, s3  }
0x9: {  	s8 =	sadd.s32 $0xA07800, s12;
	s11 =	sadd.s32 $0xA07C00, s12;
	s10 =	sshrl.u32 s9, $0x1  }
0xa: {  	_ =	strace $0x8000004A;
	s13 =	ssub.s32 s9, s10;
	s9 =	sadd.s32 $0xA07A00, s12  }
0xb: {  	s10 =	sshll.u32 s6, $0x1;
	s12 =	sadd.s32 $0xA07E00, s12;
	s13 =	smax.u32 s13, $0x1  }
.LBB2_33:
0xc: {  	s21 =	sadd.s32 $0x1, s21  }
0xd: {  	p0 =	sne.s32 s21, s13  }
.Ltmp1:
0xe: {  	_ = 	snop;
	(pc) =	sbr.rel @!p0 .LBB2_34-.Ltmp1, $1  }
0xf: {  	_ =	sdelay $0x3  }
.LBB2_1:
.Ltmp2:
0x10: {  	(pc) =	sbr.rel .LBB2_2-.Ltmp2, $4  }
0x11: {  	[tilespmem:s14], [sflag:$0x4] =	stream.linear.gather [hbm4b:s7+s1], $0x20, $0x38;
	[tilespmem:$0x1C6C0] =	vst v63  }
0x12: {  	_ =	swait.ge [sflag:s15], $0x20  }
0x13: {  	[sflag:s15] =	ssyncset.done $0x0  }
0x14: {  	s22 =	simm.s32 $0x0;
	[sflag:s15] =	ssyncadd.s32 $0xFFFFFFE0  }
.LBB2_31:
0x15: {  	s23 =	sadd.s32 s24, s12  }
0x16: {  	[hbm4b:s23+s1] =	stream.linear.scatter [tilespmem:s19], [sflag:$0x3], $0x1000, $0x38;
	[tilespmem:$0x1C6C0] =	vst v63  }
0x17: {  	_ =	swait.ge [sflag:s20], $0x1000  }
0x18: {  	[sflag:s20] =	ssyncset.done $0x0  }
0x19: {  	[sflag:s20] =	ssyncadd.s32 $0xFFFFF000  }
0x1a: {  	_ =	swait.ge [sflag:s20], $0x1000  }
0x1b: {  	[sflag:s20] =	ssyncset.done $0x0  }
0x1c: {  	[sflag:s20] =	ssyncadd.s32 $0xFFFFF000  }
.LBB2_32:
0x1d: {  	s22 =	sadd.s32 $0x1, s22  }
0x1e: {  	p0 =	sne.s32 s22, $0xE  }
.Ltmp3:
0x1f: {  	_ = 	snop;
	(pc) =	sbr.rel @!p0 .LBB2_33-.Ltmp3, $1  }
0x20: {  	_ =	sdelay $0x3  }
.LBB2_2:
0x21: {  	s23 =	sshll.u32 s22, $0x5  }
0x22: {  	s23 =	sor.u32 s10, s23  }
0x23: {  	p0 =	sgt.u32 s23, $0x1AF  }
.Ltmp4:
0x24: {  	_ = 	snop;
	(pc) =	sbr.rel @p0 .LBB2_32-.Ltmp4, $1  }
0x25: {  	_ =	sdelay $0x3  }
0x26: {  	s28 =	sshrl.u32 s23, $0x4  }
0x27: {  	s24 =	sor.u32 s3, s23;
	s25 =	smax.u32 s28, $0x1  }
0x28: {  	s30 =	sand.u32 $0xF, s24;
	s25 =	smul.u32 $0x186A00, s25  }
0x29: {  	v0 =	vmov s30;
	s23 =	smul.u32 $0x186A0, s30  }
0x2a: {  	v1 =	vor.u32 $0x10, v0  }
0x2b: {  	s23 =	sadd.s32 s23, s25  }
0x2c: {  	s23 =	sadd.s32 $0xFFE79600, s23  }
0x2d: {  	s23 =	sshrl.u32 s23, $0x3  }
0x2e: {  	v0 =	vld.idx.msk [tilespmem:v0+s14+$0x0], $0xffff;
	s23 =	sadd.s32 s2, s23  }
0x2f: {  	v1 =	vld.idx.msk [tilespmem:v1+s14+$0x0], $0xffff;
	[tilespmem:s1], [sflag:$0x1] =	stream.linear.gather [hbm4b:s23+s1], $0x186A0, $0x38  }
0x30: {  	s23 =	sshll.u32 s28, $0xB  }
0x31: {  	s26 =	simm.s32 $0x186A0;
	s31 =	sadd.s32 s4, s23  }
0x32: {  	[tilespmem:s26], [sflag:$0x2] =	stream.linear.gather [hbm4b:s31+s1], $0x1000, $0x38;
	[tilespmem:$0x1C6C0] =	vst v63  }
0x33: {  	s25 =	simm.s32 $0x1A6A0;
	s29 =	sadd.s32 s5, s23  }
0x34: {  	[tilespmem:s25], [sflag:$0x2] =	stream.linear.gather [hbm4b:s29+s1], $0x1000, $0x38;
	[tilespmem:$0x1C6C0] =	vst v63  }
0x35: {  	_ =	swait.ge [sflag:s16], $0x186A0  }
0x36: {  	[sflag:s16] =	ssyncset.done $0x0  }
0x37: {  	[sflag:s16] =	ssyncadd.s32 $0xFFFE7960  }
0x38: {  	p0 =	sne.s32 s28, $0x0;
	_ =	swait.ge [sflag:s17], $0x1000  }
.Ltmp5:
0x39: {  	[sflag:s17] =	ssyncset.done $0x0;
	(pc) =	sbr.rel @!p0 .LBB2_4-.Ltmp5, $4  }
0x3a: {  	[sflag:s17] =	ssyncadd.s32 $0xFFFFF000  }
0x3b: {  	_ =	swait.ge [sflag:s17], $0x1000  }
0x3c: {  	[sflag:s17] =	ssyncset.done $0x0  }
0x3d: {  	[sflag:s17] =	ssyncadd.s32 $0xFFFFF000  }
0x3e: {  	v2 =	vld [tilespmem:s26+$0x0];
	_ =	sdelay $0x7  }
0x3f: {  	s31 =	simm.s32 $0x186B0;
	v5 =	vld.idx.msk [tilespmem:v2+s1+$0x0], $0xffff  }
0x40: {  	v2 =	vld [tilespmem:s31+$0x0]  }
0x41: {  	v4 =	vld [tilespmem:s25+$0x0]  }
0x42: {  	s28 =	simm.s32 $0x186C0  }
0x43: {  	v3 =	vld [tilespmem:s28+$0x0];
	_ =	sdelay $0x2  }
0x44: {  	s26 =	simm.s32 $0x1A6B0;
	v5 =	vmul.f32 v4, v5  }
0x45: {  	s29 =	simm.s32 $0x20;
	v4 =	vld [tilespmem:s26+$0x0]  }
.LBB2_8:
0x46: {  	s29 =	sadd.s32 $0x10, s29;
	s28 =	sadd.s32 $0x10, s28;
	v6 =	vld.idx.msk [tilespmem:v2+s1+$0x0], $0xffff;
	[tilespmem:s25+$0x0] =	vst v5;
	v2 =	vmov v3;
	s25 =	smov.u32 s26  }
0x47: {  	v3 =	vld [tilespmem:s28+$0x0];
	p1 =	slt.u32 s29, $0xFF0;
	_ =	sdelay $0x1  }
.Ltmp6:
0x48: {  	(pc) =	sbr.rel @p1 .LBB2_8-.Ltmp6, $3  }
0x49: {  	_ =	sdelay $0x1  }
0x4a: {  	s26 =	sadd.s32 $0x10, s26;
	v5 =	vmul.f32 v4, v6  }
0x4b: {  	v4 =	vld [tilespmem:s26+$0x0]  }
0x4c: {  	_ =	sdelay $0x3  }
0x4d: {  	v2 =	vld.idx.msk [tilespmem:v2+s1+$0x0], $0xffff  }
0x4e: {  	s28 =	sadd.s32 $0x10, s26;
	v3 =	vld.idx.msk [tilespmem:v3+s1+$0x0], $0xffff  }
0x4f: {  	v6 =	vld [tilespmem:s28+$0x0];
	_ =	sdelay $0x2  }
.Ltmp7:
0x50: {  	_ = 	snop;
	(pc) =	sbr.rel .LBB2_10-.Ltmp7, $4  }
0x51: {  	v2 =	vmul.f32 v4, v2  }
0x52: {  	[tilespmem:s25+$0x0] =	vst v5;
	v3 =	vmul.f32 v6, v3  }
0x53: {  	[tilespmem:s26+$0x0] =	vst v2  }
0x54: {  	[tilespmem:s28+$0x0] =	vst v3  }
.LBB2_4:
0x55: {  	v2 =	vld [tilespmem:s26+$0x0];
	_ =	sdelay $0x4  }
0x56: {  	v3 =	vld [tilespmem:s25+$0x0];
	v2 =	vmul.f32 v2, v0  }
0x57: {  	s28 =	simm.s32 $0x186B0  }
0x58: {  	v4 =	vadd.f32 v2, v1;
	v2 =	vld [tilespmem:s28+$0x0];
	_ =	sdelay $0x1  }
0x59: {  	s26 =	simm.s32 $0x1A6B0  }
0x5a: {  	s29 =	simm.s32 $0x10;
	v4 =	vmul.f32 v4, v3;
	v3 =	vld [tilespmem:s26+$0x0]  }
.LBB2_5:
0x5b: {  	s29 =	sadd.s32 $0x10, s29  }
0x5c: {  	v5 =	vmul.f32 v2, v0;
	s28 =	sadd.s32 $0x10, s28;
	[tilespmem:s25+$0x0] =	vst v4;
	s25 =	smov.u32 s26;
	p1 =	slt.u32 s29, $0xFF0  }
.Ltmp8:
0x5d: {  	v2 =	vld [tilespmem:s28+$0x0];
	(pc) =	sbr.rel @p1 .LBB2_5-.Ltmp8, $3  }
0x5e: {  	v4 =	vadd.f32 v5, v1;
	_ =	sdelay $0x1  }
0x5f: {  	s26 =	sadd.s32 $0x10, s26;
	v4 =	vmul.f32 v4, v3  }
0x60: {  	v3 =	vld [tilespmem:s26+$0x0]  }
0x61: {  	v2 =	vmul.f32 v2, v0;
	_ =	sdelay $0x1  }
0x62: {  	v2 =	vadd.f32 v2, v1;
	_ =	sdelay $0x1  }
0x63: {  	v2 =	vmul.f32 v2, v3  }
0x64: {  	[tilespmem:s25+$0x0] =	vst v4  }
0x65: {  	[tilespmem:s26+$0x0] =	vst v2  }
.LBB2_10:
0x66: {  	s24 =	sshll.u32 s24, $0xB  }
0x67: {  	s30 =	sor.u32 $0x200, s23;
	s25 =	sadd.s32 s8, s24  }
0x68: {  	[hbm4b:s25+s1] =	stream.linear.scatter [tilespmem:s18], [sflag:$0x3], $0x1000, $0x38;
	[tilespmem:$0x1C6C0] =	vst v63  }
0x69: {  	s26 =	simm.s32 $0x196A0;
	s28 =	sadd.s32 s4, s30  }
0x6a: {  	[tilespmem:s26], [sflag:$0x2] =	stream.linear.gather [hbm4b:s28+s1], $0x1000, $0x38;
	[tilespmem:$0x1C6C0] =	vst v63  }
0x6b: {  	s31 =	sadd.s32 s5, s30;
	s25 =	simm.s32 $0x1B6A0  }
0x6c: {  	[tilespmem:s25], [sflag:$0x2] =	stream.linear.gather [hbm4b:s31+s1], $0x1000, $0x38;
	[tilespmem:$0x1C6C0] =	vst v63  }
0x6d: {  	_ =	swait.ge [sflag:s17], $0x1000  }
.Ltmp9:
0x6e: {  	[sflag:s17] =	ssyncset.done $0x0;
	(pc) =	sbr.rel @!p0 .LBB2_11-.Ltmp9, $4  }
0x6f: {  	[sflag:s17] =	ssyncadd.s32 $0xFFFFF000  }
0x70: {  	_ =	swait.ge [sflag:s17], $0x1000  }
0x71: {  	[sflag:s17] =	ssyncset.done $0x0  }
0x72: {  	[sflag:s17] =	ssyncadd.s32 $0xFFFFF000  }
0x73: {  	v2 =	vld [tilespmem:s26+$0x0];
	_ =	sdelay $0x7  }
0x74: {  	s31 =	simm.s32 $0x196B0;
	v5 =	vld.idx.msk [tilespmem:v2+s1+$0x0], $0xffff  }
0x75: {  	v2 =	vld [tilespmem:s31+$0x0]  }
0x76: {  	v4 =	vld [tilespmem:s25+$0x0]  }
0x77: {  	s28 =	simm.s32 $0x196C0  }
0x78: {  	v3 =	vld [tilespmem:s28+$0x0];
	_ =	sdelay $0x2  }
0x79: {  	s26 =	simm.s32 $0x1B6B0;
	v5 =	vmul.f32 v4, v5  }
0x7a: {  	s29 =	simm.s32 $0x20;
	v4 =	vld [tilespmem:s26+$0x0]  }
.LBB2_15:
0x7b: {  	s29 =	sadd.s32 $0x10, s29;
	s28 =	sadd.s32 $0x10, s28;
	v6 =	vld.idx.msk [tilespmem:v2+s1+$0x0], $0xffff;
	[tilespmem:s25+$0x0] =	vst v5;
	v2 =	vmov v3;
	s25 =	smov.u32 s26  }
0x7c: {  	v3 =	vld [tilespmem:s28+$0x0];
	p1 =	slt.u32 s29, $0xFF0;
	_ =	sdelay $0x1  }
.Ltmp10:
0x7d: {  	(pc) =	sbr.rel @p1 .LBB2_15-.Ltmp10, $3  }
0x7e: {  	_ =	sdelay $0x1  }
0x7f: {  	s26 =	sadd.s32 $0x10, s26;
	v5 =	vmul.f32 v4, v6  }
0x80: {  	v4 =	vld [tilespmem:s26+$0x0]  }
0x81: {  	_ =	sdelay $0x3  }
0x82: {  	v2 =	vld.idx.msk [tilespmem:v2+s1+$0x0], $0xffff  }
0x83: {  	s28 =	sadd.s32 $0x10, s26;
	v3 =	vld.idx.msk [tilespmem:v3+s1+$0x0], $0xffff  }
0x84: {  	v6 =	vld [tilespmem:s28+$0x0];
	_ =	sdelay $0x2  }
.Ltmp11:
0x85: {  	_ = 	snop;
	(pc) =	sbr.rel .LBB2_17-.Ltmp11, $4  }
0x86: {  	v2 =	vmul.f32 v4, v2  }
0x87: {  	[tilespmem:s25+$0x0] =	vst v5;
	v3 =	vmul.f32 v6, v3  }
0x88: {  	[tilespmem:s26+$0x0] =	vst v2  }
0x89: {  	[tilespmem:s28+$0x0] =	vst v3  }
.LBB2_11:
0x8a: {  	v2 =	vld [tilespmem:s26+$0x0];
	_ =	sdelay $0x4  }
0x8b: {  	v3 =	vld [tilespmem:s25+$0x0];
	v2 =	vmul.f32 v2, v0  }
0x8c: {  	s28 =	simm.s32 $0x196B0  }
0x8d: {  	v4 =	vadd.f32 v2, v1;
	v2 =	vld [tilespmem:s28+$0x0];
	_ =	sdelay $0x1  }
0x8e: {  	s26 =	simm.s32 $0x1B6B0  }
0x8f: {  	s29 =	simm.s32 $0x10;
	v4 =	vmul.f32 v4, v3;
	v3 =	vld [tilespmem:s26+$0x0]  }
.LBB2_12:
0x90: {  	s29 =	sadd.s32 $0x10, s29  }
0x91: {  	v5 =	vmul.f32 v2, v0;
	s28 =	sadd.s32 $0x10, s28;
	[tilespmem:s25+$0x0] =	vst v4;
	s25 =	smov.u32 s26;
	p1 =	slt.u32 s29, $0xFF0  }
.Ltmp12:
0x92: {  	v2 =	vld [tilespmem:s28+$0x0];
	(pc) =	sbr.rel @p1 .LBB2_12-.Ltmp12, $3  }
0x93: {  	v4 =	vadd.f32 v5, v1;
	_ =	sdelay $0x1  }
0x94: {  	s26 =	sadd.s32 $0x10, s26;
	v4 =	vmul.f32 v4, v3  }
0x95: {  	v3 =	vld [tilespmem:s26+$0x0]  }
0x96: {  	v2 =	vmul.f32 v2, v0;
	_ =	sdelay $0x1  }
0x97: {  	v2 =	vadd.f32 v2, v1;
	_ =	sdelay $0x1  }
0x98: {  	v2 =	vmul.f32 v2, v3  }
0x99: {  	[tilespmem:s25+$0x0] =	vst v4  }
0x9a: {  	[tilespmem:s26+$0x0] =	vst v2  }
.LBB2_17:
0x9b: {  	s25 =	sadd.s32 s24, s9  }
0x9c: {  	[hbm4b:s25+s1] =	stream.linear.scatter [tilespmem:s19], [sflag:$0x3], $0x1000, $0x38;
	[tilespmem:$0x1C6C0] =	vst v63  }
0x9d: {  	_ =	swait.ge [sflag:s20], $0x1000  }
0x9e: {  	s30 =	sor.u32 $0x400, s23;
	[sflag:s20] =	ssyncset.done $0x0  }
0x9f: {  	s26 =	simm.s32 $0x186A0;
	s28 =	sadd.s32 s4, s30;
	[sflag:s20] =	ssyncadd.s32 $0xFFFFF000  }
0xa0: {  	[tilespmem:s26], [sflag:$0x2] =	stream.linear.gather [hbm4b:s28+s1], $0x1000, $0x38;
	[tilespmem:$0x1C6C0] =	vst v63  }
0xa1: {  	s31 =	sadd.s32 s5, s30;
	s25 =	simm.s32 $0x1A6A0  }
0xa2: {  	[tilespmem:s25], [sflag:$0x2] =	stream.linear.gather [hbm4b:s31+s1], $0x1000, $0x38;
	[tilespmem:$0x1C6C0] =	vst v63  }
0xa3: {  	_ =	swait.ge [sflag:s17], $0x1000  }
.Ltmp13:
0xa4: {  	[sflag:s17] =	ssyncset.done $0x0;
	(pc) =	sbr.rel @!p0 .LBB2_18-.Ltmp13, $4  }
0xa5: {  	[sflag:s17] =	ssyncadd.s32 $0xFFFFF000  }
0xa6: {  	_ =	swait.ge [sflag:s17], $0x1000  }
0xa7: {  	[sflag:s17] =	ssyncset.done $0x0  }
0xa8: {  	[sflag:s17] =	ssyncadd.s32 $0xFFFFF000  }
0xa9: {  	v2 =	vld [tilespmem:s26+$0x0];
	_ =	sdelay $0x7  }
0xaa: {  	s31 =	simm.s32 $0x186B0;
	v5 =	vld.idx.msk [tilespmem:v2+s1+$0x0], $0xffff  }
0xab: {  	v2 =	vld [tilespmem:s31+$0x0]  }
0xac: {  	v4 =	vld [tilespmem:s25+$0x0]  }
0xad: {  	s28 =	simm.s32 $0x186C0  }
0xae: {  	v3 =	vld [tilespmem:s28+$0x0];
	_ =	sdelay $0x2  }
0xaf: {  	s26 =	simm.s32 $0x1A6B0;
	v5 =	vmul.f32 v4, v5  }
0xb0: {  	s29 =	simm.s32 $0x20;
	v4 =	vld [tilespmem:s26+$0x0]  }
.LBB2_22:
0xb1: {  	s29 =	sadd.s32 $0x10, s29;
	s28 =	sadd.s32 $0x10, s28;
	v6 =	vld.idx.msk [tilespmem:v2+s1+$0x0], $0xffff;
	[tilespmem:s25+$0x0] =	vst v5;
	v2 =	vmov v3;
	s25 =	smov.u32 s26  }
0xb2: {  	v3 =	vld [tilespmem:s28+$0x0];
	p1 =	slt.u32 s29, $0xFF0;
	_ =	sdelay $0x1  }
.Ltmp14:
0xb3: {  	(pc) =	sbr.rel @p1 .LBB2_22-.Ltmp14, $3  }
0xb4: {  	_ =	sdelay $0x1  }
0xb5: {  	s26 =	sadd.s32 $0x10, s26;
	v5 =	vmul.f32 v4, v6  }
0xb6: {  	v4 =	vld [tilespmem:s26+$0x0]  }
0xb7: {  	_ =	sdelay $0x3  }
0xb8: {  	v2 =	vld.idx.msk [tilespmem:v2+s1+$0x0], $0xffff  }
0xb9: {  	s28 =	sadd.s32 $0x10, s26;
	v3 =	vld.idx.msk [tilespmem:v3+s1+$0x0], $0xffff  }
0xba: {  	v6 =	vld [tilespmem:s28+$0x0];
	_ =	sdelay $0x2  }
.Ltmp15:
0xbb: {  	_ = 	snop;
	(pc) =	sbr.rel .LBB2_24-.Ltmp15, $4  }
0xbc: {  	v2 =	vmul.f32 v4, v2  }
0xbd: {  	[tilespmem:s25+$0x0] =	vst v5;
	v3 =	vmul.f32 v6, v3  }
0xbe: {  	[tilespmem:s26+$0x0] =	vst v2  }
0xbf: {  	[tilespmem:s28+$0x0] =	vst v3  }
.LBB2_18:
0xc0: {  	v2 =	vld [tilespmem:s26+$0x0];
	_ =	sdelay $0x4  }
0xc1: {  	v3 =	vld [tilespmem:s25+$0x0];
	v2 =	vmul.f32 v2, v0  }
0xc2: {  	s28 =	simm.s32 $0x186B0  }
0xc3: {  	v4 =	vadd.f32 v2, v1;
	v2 =	vld [tilespmem:s28+$0x0];
	_ =	sdelay $0x1  }
0xc4: {  	s26 =	simm.s32 $0x1A6B0  }
0xc5: {  	s29 =	simm.s32 $0x10;
	v4 =	vmul.f32 v4, v3;
	v3 =	vld [tilespmem:s26+$0x0]  }
.LBB2_19:
0xc6: {  	s29 =	sadd.s32 $0x10, s29  }
0xc7: {  	v5 =	vmul.f32 v2, v0;
	s28 =	sadd.s32 $0x10, s28;
	[tilespmem:s25+$0x0] =	vst v4;
	s25 =	smov.u32 s26;
	p1 =	slt.u32 s29, $0xFF0  }
.Ltmp16:
0xc8: {  	v2 =	vld [tilespmem:s28+$0x0];
	(pc) =	sbr.rel @p1 .LBB2_19-.Ltmp16, $3  }
0xc9: {  	v4 =	vadd.f32 v5, v1;
	_ =	sdelay $0x1  }
0xca: {  	s26 =	sadd.s32 $0x10, s26;
	v4 =	vmul.f32 v4, v3  }
0xcb: {  	v3 =	vld [tilespmem:s26+$0x0]  }
0xcc: {  	v2 =	vmul.f32 v2, v0;
	_ =	sdelay $0x1  }
0xcd: {  	v2 =	vadd.f32 v2, v1;
	_ =	sdelay $0x1  }
0xce: {  	v2 =	vmul.f32 v2, v3  }
0xcf: {  	[tilespmem:s25+$0x0] =	vst v4  }
0xd0: {  	[tilespmem:s26+$0x0] =	vst v2  }
.LBB2_24:
0xd1: {  	s25 =	sadd.s32 s24, s11  }
0xd2: {  	[hbm4b:s25+s1] =	stream.linear.scatter [tilespmem:s18], [sflag:$0x3], $0x1000, $0x38;
	[tilespmem:$0x1C6C0] =	vst v63  }
0xd3: {  	_ =	swait.ge [sflag:s20], $0x1000  }
0xd4: {  	s23 =	sor.u32 $0x600, s23;
	[sflag:s20] =	ssyncset.done $0x0  }
0xd5: {  	s26 =	sadd.s32 s4, s23;
	s25 =	simm.s32 $0x196A0;
	[sflag:s20] =	ssyncadd.s32 $0xFFFFF000  }
0xd6: {  	[tilespmem:s25], [sflag:$0x2] =	stream.linear.gather [hbm4b:s26+s1], $0x1000, $0x38;
	[tilespmem:$0x1C6C0] =	vst v63  }
0xd7: {  	s31 =	sadd.s32 s5, s23;
	s23 =	simm.s32 $0x1B6A0  }
0xd8: {  	[tilespmem:s23], [sflag:$0x2] =	stream.linear.gather [hbm4b:s31+s1], $0x1000, $0x38;
	[tilespmem:$0x1C6C0] =	vst v63  }
0xd9: {  	_ =	swait.ge [sflag:s17], $0x1000  }
.Ltmp17:
0xda: {  	[sflag:s17] =	ssyncset.done $0x0;
	(pc) =	sbr.rel @!p0 .LBB2_25-.Ltmp17, $4  }
0xdb: {  	[sflag:s17] =	ssyncadd.s32 $0xFFFFF000  }
0xdc: {  	_ =	swait.ge [sflag:s17], $0x1000  }
0xdd: {  	[sflag:s17] =	ssyncset.done $0x0  }
0xde: {  	[sflag:s17] =	ssyncadd.s32 $0xFFFFF000  }
0xdf: {  	v0 =	vld [tilespmem:s25+$0x0];
	_ =	sdelay $0x7  }
0xe0: {  	s31 =	simm.s32 $0x196B0;
	v3 =	vld.idx.msk [tilespmem:v0+s1+$0x0], $0xffff  }
0xe1: {  	v0 =	vld [tilespmem:s31+$0x0]  }
0xe2: {  	v2 =	vld [tilespmem:s23+$0x0]  }
0xe3: {  	s26 =	simm.s32 $0x196C0  }
0xe4: {  	v1 =	vld [tilespmem:s26+$0x0];
	_ =	sdelay $0x2  }
0xe5: {  	s25 =	simm.s32 $0x1B6B0;
	v3 =	vmul.f32 v2, v3  }
0xe6: {  	s28 =	simm.s32 $0x20;
	v2 =	vld [tilespmem:s25+$0x0]  }
.LBB2_29:
0xe7: {  	s28 =	sadd.s32 $0x10, s28;
	s26 =	sadd.s32 $0x10, s26;
	v4 =	vld.idx.msk [tilespmem:v0+s1+$0x0], $0xffff;
	[tilespmem:s23+$0x0] =	vst v3;
	v0 =	vmov v1;
	s23 =	smov.u32 s25  }
0xe8: {  	v1 =	vld [tilespmem:s26+$0x0];
	p0 =	slt.u32 s28, $0xFF0;
	_ =	sdelay $0x1  }
.Ltmp18:
0xe9: {  	(pc) =	sbr.rel @p0 .LBB2_29-.Ltmp18, $3  }
0xea: {  	_ =	sdelay $0x1  }
0xeb: {  	s25 =	sadd.s32 $0x10, s25;
	v3 =	vmul.f32 v2, v4  }
0xec: {  	v2 =	vld [tilespmem:s25+$0x0]  }
0xed: {  	_ =	sdelay $0x3  }
0xee: {  	v0 =	vld.idx.msk [tilespmem:v0+s1+$0x0], $0xffff  }
0xef: {  	s26 =	sadd.s32 $0x10, s25;
	v1 =	vld.idx.msk [tilespmem:v1+s1+$0x0], $0xffff  }
0xf0: {  	v4 =	vld [tilespmem:s26+$0x0];
	_ =	sdelay $0x2  }
.Ltmp19:
0xf1: {  	_ = 	snop;
	(pc) =	sbr.rel .LBB2_31-.Ltmp19, $4  }
0xf2: {  	v0 =	vmul.f32 v2, v0  }
0xf3: {  	[tilespmem:s23+$0x0] =	vst v3;
	v1 =	vmul.f32 v4, v1  }
0xf4: {  	[tilespmem:s25+$0x0] =	vst v0  }
0xf5: {  	[tilespmem:s26+$0x0] =	vst v1  }
.LBB2_25:
0xf6: {  	v2 =	vld [tilespmem:s25+$0x0];
	_ =	sdelay $0x4  }
0xf7: {  	v3 =	vld [tilespmem:s23+$0x0];
	v2 =	vmul.f32 v2, v0  }
0xf8: {  	s26 =	simm.s32 $0x196B0  }
0xf9: {  	v4 =	vadd.f32 v2, v1;
	v2 =	vld [tilespmem:s26+$0x0];
	_ =	sdelay $0x1  }
0xfa: {  	s25 =	simm.s32 $0x1B6B0  }
0xfb: {  	s28 =	simm.s32 $0x10;
	v4 =	vmul.f32 v4, v3;
	v3 =	vld [tilespmem:s25+$0x0]  }
.LBB2_26:
0xfc: {  	s28 =	sadd.s32 $0x10, s28  }
0xfd: {  	v5 =	vmul.f32 v2, v0;
	s26 =	sadd.s32 $0x10, s26;
	[tilespmem:s23+$0x0] =	vst v4;
	s23 =	smov.u32 s25;
	p0 =	slt.u32 s28, $0xFF0  }
.Ltmp20:
0xfe: {  	v2 =	vld [tilespmem:s26+$0x0];
	(pc) =	sbr.rel @p0 .LBB2_26-.Ltmp20, $3  }
0xff: {  	v4 =	vadd.f32 v5, v1;
	_ =	sdelay $0x1  }
0x100: {  	s25 =	sadd.s32 $0x10, s25;
	v4 =	vmul.f32 v4, v3  }
0x101: {  	v3 =	vld [tilespmem:s25+$0x0]  }
0x102: {  	v0 =	vmul.f32 v2, v0;
	_ =	sdelay $0x1  }
.Ltmp21:
0x103: {  	v0 =	vadd.f32 v0, v1;
	(pc) =	sbr.rel .LBB2_31-.Ltmp21, $4  }
0x104: {  	_ = 	snop  }
0x105: {  	v0 =	vmul.f32 v0, v3  }
0x106: {  	[tilespmem:s23+$0x0] =	vst v4  }
0x107: {  	[tilespmem:s25+$0x0] =	vst v0  }
.LBB2_34:
0x108: {  	_ =	sfence.sel $0x180000  }
0x109: {  	[bflag:$0x0] =	sbarrier.arrive $0xFFFF  }
0x10a: {  	p0 =	sne.s32 s6, $0x0;
	_ =	strace $0x9000004A  }
0x10b: {  	s0 =	sadd.s32 @!p0 $0x100000, s0;
	[bflag:$0x2] =	sbarrier.arrive $0xFFFF  }
0x10c: {  	[sflag:s0] =	ssyncadd.tile.s32 @!p0 $0x1;
	_ =	shalt  }
.Lfunc_end2:
_tile_overlayer_lowered:
.L_overlay_start_2:
0x10d: {  	(tag) =	ssettag $0x2  }
0x10e: {  	s0 =	rddreg [dreg:$0x0];
	s2 =	stileid.u32  }
0x10f: {  	s1 =	rddreg [dreg:$0x1];
	p0 =	sne.s32 s2, $0x0  }
0x110: {  	s3 =	rddreg [dreg:$0x2];
	[bflag:$0x3] =	sbarrier.arrive $0xFFFF;
	s2 =	simm.s32 @!p0 $0x1C04  }
0x111: {  	[timem:s3], [sflag:s2] =	dma.local @!p0 [hbm:s0], s1  }
0x112: {  	s0 =	simm.s32 @!p0 $0x4  }
0x113: {  	_ =	swait.ge @!p0 [sflag:s0], s1  }
0x114: {  	s1 =	ssub.s32 @!p0 $0x0, s1;
	[sflag:s0] =	ssyncset.done @!p0 $0x0  }
0x115: {  	[sflag:s0] =	ssyncadd.s32 @!p0 s1  }
0x116: {  	[bflag:$0x3] =	sbarrier.arrive $0xFFFF  }
0x117: {  	_ =	shalt  }

</sc_bundles>
